<compile_context>
chip_gen: v7x
topology: tpu7x:2x2x1
jax: 0.10.2.dev20260603
libtpu: 0.0.44.dev20260713+nightly
codegen_flags: <defaults>
</compile_context>

<pallas_src>
import functools

import jax
import jax.numpy as jnp
from jax import lax
from jax.experimental import pallas as pl
from jax.experimental.pallas import tpu as pltpu
from jax.experimental.pallas import tpu_sc as plsc

N = 10000
D_IN = 128
H = 64
Z = 32
E = 320000

NC = 2
NS = 16
NW = NC * NS

K = 128
CH = 80
CH0 = 120
CH1 = 2 * CH - CH0
CHMX = max(CH0, CH1)
E_PAD = NW * CH * K
N_PAD = 10112
RPT = N_PAD // NS
DUMMY = N

def _mesh():
    return plsc.VectorSubcoreMesh(
        core_axis_name="c", subcore_axis_name="s", num_cores=NC, num_subcores=NS
    )



def _sc_deg(dst2d, ones_h, zeros_h):

    @functools.partial(
        pl.kernel,
        out_type=jax.ShapeDtypeStruct((NC, NS, RPT), jnp.float32),
        mesh=_mesh(),
        scratch_types=[
            pltpu.VMEM((CH, K), jnp.int32),
            pltpu.VMEM((K,), jnp.float32),
            pltpu.VMEM((RPT,), jnp.float32),
            pltpu.VMEM_SHARED((N_PAD,), jnp.float32),
        ],
        name="sc_deg",
    )
    def body(dst_h, ones_hbm, zeros_hbm, out_h, didx, ones_v, stage, acc):
        c = lax.axis_index("c")
        s = lax.axis_index("s")
        wid = s * NC + c
        pltpu.sync_copy(zeros_hbm.at[pl.ds(s * RPT, RPT)], stage)
        pltpu.sync_copy(stage, acc.at[pl.ds(s * RPT, RPT)])
        pltpu.sync_copy(ones_hbm, ones_v)
        pltpu.sync_copy(dst_h.at[pl.ds(wid * CH, CH)], didx)
        plsc.subcore_barrier()

        def step(j, carry):
            pltpu.sync_copy(ones_v, acc.at[didx.at[j]], add=True)
            return carry

        lax.fori_loop(0, CH, step, 0)
        plsc.subcore_barrier()
        pltpu.sync_copy(acc.at[pl.ds(s * RPT, RPT)], stage)
        pltpu.sync_copy(stage, out_h.at[c, s])

    return body(dst2d, ones_h, zeros_h)


def _sc_gather_scatter(hs, src2d, dst2d, zeros_h, d):

    @functools.partial(
        pl.kernel,
        out_type=jax.ShapeDtypeStruct((NC, NS, RPT, d), jnp.float32),
        mesh=_mesh(),
        scratch_types=[
            pltpu.VMEM((CHMX, K), jnp.int32),
            pltpu.VMEM((CHMX, K), jnp.int32),
            pltpu.VMEM((K, d), jnp.float32),
            pltpu.VMEM((K, d), jnp.float32),
            pltpu.VMEM((RPT, d), jnp.float32),
            pltpu.VMEM_SHARED((N_PAD, d), jnp.float32),
            pltpu.SemaphoreType.DMA,
            pltpu.SemaphoreType.DMA,
        ],
        compiler_params=pltpu.CompilerParams(use_tc_tiling_on_sc=False),
        name=f"sc_gs{d}",
    )
    def body(hs_h, src_h, dst_h, zeros_hbm, out_h,
             sidx, didx, rows0, rows1, stage, acc, sem0, sem1):
        c = lax.axis_index("c")
        s = lax.axis_index("s")
        pltpu.sync_copy(zeros_hbm.at[pl.ds(s * RPT, RPT)], stage)
        pltpu.sync_copy(stage, acc.at[pl.ds(s * RPT, RPT)])

        def run(ch, base):
            pltpu.sync_copy(src_h.at[pl.ds(base, ch)], sidx.at[pl.ds(0, ch)])
            pltpu.sync_copy(dst_h.at[pl.ds(base, ch)], didx.at[pl.ds(0, ch)])
            pltpu.async_copy(hs_h.at[sidx.at[0]], rows0, sem0)
            pltpu.async_copy(hs_h.at[sidx.at[1]], rows1, sem1)
            nh = ch // 2

            def step(jj, carry):
                j0 = 2 * jj

                def half(rows, sem, j):
                    pltpu.make_async_copy(hs_h.at[sidx.at[j]], rows, sem).wait()
                    pltpu.sync_copy(rows, acc.at[didx.at[j]], add=True)

                    @pl.when(jj < nh - 1)
                    def _():
                        pltpu.async_copy(hs_h.at[sidx.at[j + 2]], rows, sem)

                half(rows0, sem0, j0)
                half(rows1, sem1, j0 + 1)
                return carry

            lax.fori_loop(0, nh, step, 0)

        @pl.when(c == 0)
        def _():
            run(CH0, s * (CH0 + CH1))

        @pl.when(c == 1)
        def _():
            run(CH1, s * (CH0 + CH1) + CH0)

        plsc.subcore_barrier()
        pltpu.sync_copy(acc.at[pl.ds(s * RPT, RPT)], stage)
        pltpu.sync_copy(stage, out_h.at[c, s])

    return body(hs, src2d, dst2d, zeros_h)



_GB = 16
_BR = N_PAD // _GB


def _tc_scale_mm1(x_pad, w1, degp):

    def body(deg_ref, x_ref, w_ref, hs_ref, dinv_ref):
        deg = deg_ref[:, 0] + deg_ref[:, 1] + 1.0
        dinv = lax.rsqrt(jnp.maximum(deg, 1e-12))
        h = jnp.dot(x_ref[...], w_ref[...], preferred_element_type=jnp.float32)
        hs_ref[...] = h * dinv[:, None]
        dinv_ref[...] = dinv[:, None]

    return pl.pallas_call(
        body,
        grid=(_GB,),
        in_specs=[
            pl.BlockSpec((_BR, NC), lambda i: (i, 0)),
            pl.BlockSpec((_BR, D_IN), lambda i: (i, 0)),
            pl.BlockSpec((D_IN, H), lambda i: (0, 0)),
        ],
        out_specs=[
            pl.BlockSpec((_BR, H), lambda i: (i, 0)),
            pl.BlockSpec((_BR, 1), lambda i: (i, 0)),
        ],
        out_shape=[
            jax.ShapeDtypeStruct((N_PAD, H), jnp.float32),
            jax.ShapeDtypeStruct((N_PAD, 1), jnp.float32),
        ],
    )(degp.T, x_pad, w1)


def _tc_relu_mm2(acc1, hs1, dinv, w_mu):

    def body(a_ref, hs_ref, dinv_ref, w_ref, out_ref):
        dv = dinv_ref[...]
        h2 = jnp.maximum((a_ref[0] + a_ref[1] + hs_ref[...]) * dv, 0.0)
        out_ref[...] = (
            jnp.dot(h2, w_ref[...], preferred_element_type=jnp.float32) * dv
        )

    return pl.pallas_call(
        body,
        grid=(_GB,),
        in_specs=[
            pl.BlockSpec((NC, _BR, H), lambda i: (0, i, 0)),
            pl.BlockSpec((_BR, H), lambda i: (i, 0)),
            pl.BlockSpec((_BR, 1), lambda i: (i, 0)),
            pl.BlockSpec((H, Z), lambda i: (0, 0)),
        ],
        out_specs=pl.BlockSpec((_BR, Z), lambda i: (i, 0)),
        out_shape=jax.ShapeDtypeStruct((N_PAD, Z), jnp.float32),
    )(acc1, hs1, dinv, w_mu)


def _tc_mu(acc2, hs2, dinv):

    def body(a_ref, hs_ref, dinv_ref, out_ref):
        i = pl.program_id(0)
        mu = (a_ref[0] + a_ref[1] + hs_ref[...]) * dinv_ref[...]
        rows = lax.broadcasted_iota(jnp.int32, (_BR, Z), 0) + i * _BR
        out_ref[...] = jnp.where(rows < N, mu, 0.0)

    return pl.pallas_call(
        body,
        grid=(_GB,),
        in_specs=[
            pl.BlockSpec((NC, _BR, Z), lambda i: (0, i, 0)),
            pl.BlockSpec((_BR, Z), lambda i: (i, 0)),
            pl.BlockSpec((_BR, 1), lambda i: (i, 0)),
        ],
        out_specs=pl.BlockSpec((_BR, Z), lambda i: (i, 0)),
        out_shape=jax.ShapeDtypeStruct((N_PAD, Z), jnp.float32),
    )(acc2, hs2, dinv)


def _tc_decode(mu):

    def body(zi_ref, zj_ref, out_ref, acc_ref):
        i = pl.program_id(0)
        j = pl.program_id(1)

        @pl.when(jnp.logical_and(i == 0, j == 0))
        def _init():
            acc_ref[0, 0] = 0.0

        logits = lax.dot_general(
            zi_ref[...], zj_ref[...], (((1,), (1,)), ((), ())),
            preferred_element_type=jnp.float32,
        )
        acc_ref[0, 0] += jnp.sum(jnp.tanh(0.5 * logits))

        @pl.when(jnp.logical_and(i == _GB - 1, j == _GB - 1))
        def _fin():
            out_ref[0, 0] = -0.5 - acc_ref[0, 0] / float(2 * N * N)

    return pl.pallas_call(
        body,
        grid=(_GB, _GB),
        in_specs=[
            pl.BlockSpec((_BR, Z), lambda i, j: (i, 0)),
            pl.BlockSpec((_BR, Z), lambda i, j: (j, 0)),
        ],
        out_specs=pl.BlockSpec(memory_space=pltpu.SMEM),
        out_shape=jax.ShapeDtypeStruct((1, 1), jnp.float32),
        scratch_shapes=[pltpu.SMEM((1, 1), jnp.float32)],
    )(mu, mu)



@jax.jit
def kernel(feature, edge_index, W1, W_mu):
    src = edge_index[0]
    dst = edge_index[1]
    pad = E_PAD - E
    src2d = jnp.concatenate(
        [src, jnp.zeros((pad,), jnp.int32)]).reshape(E_PAD // K, K)
    dst2d = jnp.concatenate(
        [dst, jnp.full((pad,), DUMMY, jnp.int32)]).reshape(E_PAD // K, K)

    x_pad = jnp.pad(feature, ((0, N_PAD - N), (0, 0)))
    ones_h = jnp.ones((K,), jnp.float32)
    zeros1 = jnp.zeros((N_PAD,), jnp.float32)
    zeros_h = jnp.zeros((N_PAD, H), jnp.float32)
    zeros_z = jnp.zeros((N_PAD, Z), jnp.float32)

    degp = _sc_deg(dst2d, ones_h, zeros1).reshape(NC, N_PAD)
    hs1, dinv = _tc_scale_mm1(x_pad, W1, degp)
    acc1 = _sc_gather_scatter(hs1, src2d, dst2d, zeros_h, H).reshape(NC, N_PAD, H)
    hs2 = _tc_relu_mm2(acc1, hs1, dinv, W_mu)
    acc2 = _sc_gather_scatter(hs2, src2d, dst2d, zeros_z, Z).reshape(NC, N_PAD, Z)
    mu = _tc_mu(acc2, hs2, dinv)
    out = _tc_decode(mu)
    return out[0, 0]

# --- scband reference (transcript-rebuilt; emitter-appended) ---
"""Pipeline reference for scband-likelihood-computer-py-g-90460601188357 (READ-ONLY COPY).

The authoritative reference and input builder live on the scoring server;
editing this copy changes nothing except your own understanding.
"""

import jax, jax.numpy as jnp
import numpy as np

N_NODES = 10000
D_FEAT = 128
N_EDGES = 320000
H_DIM = 64
Z_DIM = 32


def gcn_conv(x, edge_index, W):
    # GCNConv with added self-loops and symmetric D^-1/2 (A+I) D^-1/2 normalization,
    # implemented with gathers + scatter-add (SparseCore-friendly).
    n = x.shape[0]
    src = edge_index[0]
    dst = edge_index[1]
    loops = jnp.arange(n, dtype=edge_index.dtype)
    src = jnp.concatenate([src, loops])
    dst = jnp.concatenate([dst, loops])
    h = x @ W
    ones = jnp.ones(src.shape[0], dtype=x.dtype)
    deg = jnp.zeros((n,), dtype=x.dtype).at[dst].add(ones)
    dinv = jax.lax.rsqrt(jnp.maximum(deg, 1e-12))
    norm = dinv[src] * dinv[dst]
    msgs = h[src] * norm[:, None]
    out = jnp.zeros_like(h).at[dst].add(msgs)
    return out


def setup_inputs(seed: int = 0) -> dict:
    key = jax.random.key(seed)
    k1, k2, k3, k4 = jax.random.split(key, 4)
    feature = jax.random.normal(k1, (N_NODES, D_FEAT), dtype=jnp.float32)
    edge_index = jax.random.randint(k2, (2, N_EDGES), 0, N_NODES, dtype=jnp.int32)
    # Learned parameters of the DeepVGAE encoder (GCN(in->64) -> ReLU -> GCN(64->32) mu head)
    W1 = jax.random.normal(k3, (D_FEAT, H_DIM), dtype=jnp.float32) * (1.0 / np.sqrt(D_FEAT))
    W_mu = jax.random.normal(k4, (H_DIM, Z_DIM), dtype=jnp.float32) * (1.0 / np.sqrt(H_DIM))
    return {"feature": feature, "edge_index": edge_index, "W1": W1, "W_mu": W_mu}


def reference(feature, edge_index, W1, W_mu):
    # DeepVGAE encode (eval mode: z = mu) + inner-product decode, then
    # LikelihoodComputer_pyG.ComputeLikelihood: sigmoid and negative mean.
    h = jax.nn.relu(gcn_conv(feature, edge_index, W1))
    mu = gcn_conv(h, edge_index, W_mu)
    z = mu
    adj_logits = z @ z.T
    adj_output = jax.nn.sigmoid(adj_logits)
    return -jnp.mean(adj_output)

if __name__ == "__main__":
    import jax
    _d = setup_inputs()
    print(jax.jit(kernel)(*tuple(_d.values())))

</pallas_src>

<mosaic_0001>
#map = affine_map<(d0, d1) -> (0, 0)>
#map1 = affine_map<(d0, d1) -> (0, 0, 0, 0)>
module attributes {stable_mosaic.version = 14 : i64} {
  func.func @sc_gs32(%arg0: i32, %arg1: i32, %arg2: memref<10112x32xf32, #tpu.memory_space<hbm>>, %arg3: memref<2560x128xi32, #tpu.memory_space<hbm>>, %arg4: memref<2560x128xi32, #tpu.memory_space<hbm>>, %arg5: memref<10112x32xf32, #tpu.memory_space<hbm>>, %arg6: memref<2x16x632x32xf32, #tpu.memory_space<hbm>>, %arg7: memref<120x128xi32, #tpu.memory_space<vmem>>, %arg8: memref<120x128xi32, #tpu.memory_space<vmem>>, %arg9: memref<128x32xf32, #tpu.memory_space<vmem>>, %arg10: memref<128x32xf32, #tpu.memory_space<vmem>>, %arg11: memref<632x32xf32, #tpu.memory_space<vmem>>, %arg12: memref<10112x32xf32, #tpu.memory_space<vmem_shared>>, %arg13: memref<!tpu.dma_semaphore, #tpu.memory_space<semaphore_mem>>, %arg14: memref<!tpu.dma_semaphore, #tpu.memory_space<semaphore_mem>>) attributes {dimension_semantics = [#tpu.dimension_semantics<core_parallel>, #tpu.dimension_semantics<subcore_parallel>], iteration_bounds = array<i64: 2, 16>, scalar_prefetch = 0 : i64, scratch_operands = 8 : i64, tpu.core_type = #tpu.core_type<sc_vector_subcore>, window_params = [{transform_indices = #map}, {transform_indices = #map}, {transform_indices = #map}, {transform_indices = #map}, {transform_indices = #map1}]} {
    %mul3A = arith.constant 632 : i32
    %mul3A_0 = arith.muli %arg1, %mul3A : i32
    "tpu.region"() ({
      %run_scoped3A = tpu.sem_alloc : memref<!tpu.dma_semaphore, #tpu.memory_space<semaphore_mem>>
      %dma_start3A = arith.constant 0 : i32
      %dma_start3A_12 = tpu.memref_slice %arg5[%mul3A_0, %dma_start3A] : memref<10112x32xf32, #tpu.memory_space<hbm>> -> memref<632x32xf32, #tpu.memory_space<hbm>>
      %dma_start3A_13 = arith.constant 0 : i32
      %dma_start3A_14 = tpu.memref_slice %arg5[%mul3A_0, %dma_start3A_13] : memref<10112x32xf32, #tpu.memory_space<hbm>> -> memref<632x32xf32, #tpu.memory_space<hbm>>
      tpu.enqueue_dma source(%dma_start3A_14 : memref<632x32xf32, #tpu.memory_space<hbm>>) target(%arg11 : memref<632x32xf32, #tpu.memory_space<vmem>>) target_semaphore(%run_scoped3A : memref<!tpu.dma_semaphore, #tpu.memory_space<semaphore_mem>>)
      %dma_wait3A = arith.constant 0 : i32
      %dma_wait3A_15 = tpu.memref_slice %arg5[%mul3A_0, %dma_wait3A] : memref<10112x32xf32, #tpu.memory_space<hbm>> -> memref<632x32xf32, #tpu.memory_space<hbm>>
      %dma_wait3A_16 = arith.constant 0 : i32
      %dma_wait3A_17 = tpu.memref_slice %arg5[%mul3A_0, %dma_wait3A_16] : memref<10112x32xf32, #tpu.memory_space<hbm>> -> memref<632x32xf32, #tpu.memory_space<hbm>>
      tpu.wait_dma2 semaphore(%run_scoped3A : memref<!tpu.dma_semaphore, #tpu.memory_space<semaphore_mem>>) src(%dma_wait3A_17 : memref<632x32xf32, #tpu.memory_space<hbm>>) dst(%arg11 : memref<632x32xf32, #tpu.memory_space<vmem>>)
      tpu.yield
    }) : () -> ()
    %mul3A_1 = arith.constant 632 : i32
    %mul3A_2 = arith.muli %arg1, %mul3A_1 : i32
    "tpu.region"() ({
      %run_scoped3A = tpu.sem_alloc : memref<!tpu.dma_semaphore, #tpu.memory_space<semaphore_mem>>
      %dma_start3A = arith.constant 0 : i32
      %dma_start3A_12 = tpu.memref_slice %arg12[%mul3A_2, %dma_start3A] : memref<10112x32xf32, #tpu.memory_space<vmem_shared>> -> memref<632x32xf32, #tpu.memory_space<vmem_shared>>
      %dma_start3A_13 = arith.constant 0 : i32
      %dma_start3A_14 = tpu.memref_slice %arg12[%mul3A_2, %dma_start3A_13] : memref<10112x32xf32, #tpu.memory_space<vmem_shared>> -> memref<632x32xf32, #tpu.memory_space<vmem_shared>>
      tpu.enqueue_dma source(%arg11 : memref<632x32xf32, #tpu.memory_space<vmem>>) target(%dma_start3A_14 : memref<632x32xf32, #tpu.memory_space<vmem_shared>>) target_semaphore(%run_scoped3A : memref<!tpu.dma_semaphore, #tpu.memory_space<semaphore_mem>>)
      %dma_wait3A = arith.constant 0 : i32
      %dma_wait3A_15 = tpu.memref_slice %arg12[%mul3A_2, %dma_wait3A] : memref<10112x32xf32, #tpu.memory_space<vmem_shared>> -> memref<632x32xf32, #tpu.memory_space<vmem_shared>>
      %dma_wait3A_16 = arith.constant 0 : i32
      %dma_wait3A_17 = tpu.memref_slice %arg12[%mul3A_2, %dma_wait3A_16] : memref<10112x32xf32, #tpu.memory_space<vmem_shared>> -> memref<632x32xf32, #tpu.memory_space<vmem_shared>>
      tpu.wait_dma2 semaphore(%run_scoped3A : memref<!tpu.dma_semaphore, #tpu.memory_space<semaphore_mem>>) src(%arg11 : memref<632x32xf32, #tpu.memory_space<vmem>>) dst(%dma_wait3A_17 : memref<632x32xf32, #tpu.memory_space<vmem_shared>>)
      tpu.yield
    }) : () -> ()
    %eq3A = arith.constant 0 : i32
    %eq3A_3 = arith.cmpi eq, %arg0, %eq3A : i32
    %convert_element_type3A = arith.extui %eq3A_3 : i1 to i32
    %cond3A = arith.constant 0 : i32
    %cond3A_4 = arith.cmpi ne, %convert_element_type3A, %cond3A : i32
    scf.if %cond3A_4 {
      %mul3A_12 = arith.constant 160 : i32
      %mul3A_13 = arith.muli %arg1, %mul3A_12 : i32
      "tpu.region"() ({
        %run_scoped3A = tpu.sem_alloc : memref<!tpu.dma_semaphore, #tpu.memory_space<semaphore_mem>>
        %dma_start3A_32 = arith.constant 0 : i32
        %dma_start3A_33 = arith.constant 0 : i32
        %dma_start3A_34 = tpu.memref_slice %arg7[%dma_start3A_32, %dma_start3A_33] : memref<120x128xi32, #tpu.memory_space<vmem>> -> memref<120x128xi32, #tpu.memory_space<vmem>>
        %dma_start3A_35 = arith.constant 0 : i32
        %dma_start3A_36 = tpu.memref_slice %arg3[%mul3A_13, %dma_start3A_35] : memref<2560x128xi32, #tpu.memory_space<hbm>> -> memref<120x128xi32, #tpu.memory_space<hbm>>
        %dma_start3A_37 = arith.constant 0 : i32
        %dma_start3A_38 = arith.constant 0 : i32
        %dma_start3A_39 = tpu.memref_slice %arg7[%dma_start3A_37, %dma_start3A_38] : memref<120x128xi32, #tpu.memory_space<vmem>> -> memref<120x128xi32, #tpu.memory_space<vmem>>
        %dma_start3A_40 = arith.constant 0 : i32
        %dma_start3A_41 = tpu.memref_slice %arg3[%mul3A_13, %dma_start3A_40] : memref<2560x128xi32, #tpu.memory_space<hbm>> -> memref<120x128xi32, #tpu.memory_space<hbm>>
        tpu.enqueue_dma source(%dma_start3A_41 : memref<120x128xi32, #tpu.memory_space<hbm>>) target(%dma_start3A_39 : memref<120x128xi32, #tpu.memory_space<vmem>>) target_semaphore(%run_scoped3A : memref<!tpu.dma_semaphore, #tpu.memory_space<semaphore_mem>>)
        %dma_wait3A = arith.constant 0 : i32
        %dma_wait3A_42 = arith.constant 0 : i32
        %dma_wait3A_43 = tpu.memref_slice %arg7[%dma_wait3A, %dma_wait3A_42] : memref<120x128xi32, #tpu.memory_space<vmem>> -> memref<120x128xi32, #tpu.memory_space<vmem>>
        %dma_wait3A_44 = arith.constant 0 : i32
        %dma_wait3A_45 = tpu.memref_slice %arg3[%mul3A_13, %dma_wait3A_44] : memref<2560x128xi32, #tpu.memory_space<hbm>> -> memref<120x128xi32, #tpu.memory_space<hbm>>
        %dma_wait3A_46 = arith.constant 0 : i32
        %dma_wait3A_47 = arith.constant 0 : i32
        %dma_wait3A_48 = tpu.memref_slice %arg7[%dma_wait3A_46, %dma_wait3A_47] : memref<120x128xi32, #tpu.memory_space<vmem>> -> memref<120x128xi32, #tpu.memory_space<vmem>>
        %dma_wait3A_49 = arith.constant 0 : i32
        %dma_wait3A_50 = tpu.memref_slice %arg3[%mul3A_13, %dma_wait3A_49] : memref<2560x128xi32, #tpu.memory_space<hbm>> -> memref<120x128xi32, #tpu.memory_space<hbm>>
        tpu.wait_dma2 semaphore(%run_scoped3A : memref<!tpu.dma_semaphore, #tpu.memory_space<semaphore_mem>>) src(%dma_wait3A_50 : memref<120x128xi32, #tpu.memory_space<hbm>>) dst(%dma_wait3A_48 : memref<120x128xi32, #tpu.memory_space<vmem>>)
        tpu.yield
      }) : () -> ()
      "tpu.region"() ({
        %run_scoped3A = tpu.sem_alloc : memref<!tpu.dma_semaphore, #tpu.memory_space<semaphore_mem>>
        %dma_start3A_32 = arith.constant 0 : i32
        %dma_start3A_33 = arith.constant 0 : i32
        %dma_start3A_34 = tpu.memref_slice %arg8[%dma_start3A_32, %dma_start3A_33] : memref<120x128xi32, #tpu.memory_space<vmem>> -> memref<120x128xi32, #tpu.memory_space<vmem>>
        %dma_start3A_35 = arith.constant 0 : i32
        %dma_start3A_36 = tpu.memref_slice %arg4[%mul3A_13, %dma_start3A_35] : memref<2560x128xi32, #tpu.memory_space<hbm>> -> memref<120x128xi32, #tpu.memory_space<hbm>>
        %dma_start3A_37 = arith.constant 0 : i32
        %dma_start3A_38 = arith.constant 0 : i32
        %dma_start3A_39 = tpu.memref_slice %arg8[%dma_start3A_37, %dma_start3A_38] : memref<120x128xi32, #tpu.memory_space<vmem>> -> memref<120x128xi32, #tpu.memory_space<vmem>>
        %dma_start3A_40 = arith.constant 0 : i32
        %dma_start3A_41 = tpu.memref_slice %arg4[%mul3A_13, %dma_start3A_40] : memref<2560x128xi32, #tpu.memory_space<hbm>> -> memref<120x128xi32, #tpu.memory_space<hbm>>
        tpu.enqueue_dma source(%dma_start3A_41 : memref<120x128xi32, #tpu.memory_space<hbm>>) target(%dma_start3A_39 : memref<120x128xi32, #tpu.memory_space<vmem>>) target_semaphore(%run_scoped3A : memref<!tpu.dma_semaphore, #tpu.memory_space<semaphore_mem>>)
        %dma_wait3A = arith.constant 0 : i32
        %dma_wait3A_42 = arith.constant 0 : i32
        %dma_wait3A_43 = tpu.memref_slice %arg8[%dma_wait3A, %dma_wait3A_42] : memref<120x128xi32, #tpu.memory_space<vmem>> -> memref<120x128xi32, #tpu.memory_space<vmem>>
        %dma_wait3A_44 = arith.constant 0 : i32
        %dma_wait3A_45 = tpu.memref_slice %arg4[%mul3A_13, %dma_wait3A_44] : memref<2560x128xi32, #tpu.memory_space<hbm>> -> memref<120x128xi32, #tpu.memory_space<hbm>>
        %dma_wait3A_46 = arith.constant 0 : i32
        %dma_wait3A_47 = arith.constant 0 : i32
        %dma_wait3A_48 = tpu.memref_slice %arg8[%dma_wait3A_46, %dma_wait3A_47] : memref<120x128xi32, #tpu.memory_space<vmem>> -> memref<120x128xi32, #tpu.memory_space<vmem>>
        %dma_wait3A_49 = arith.constant 0 : i32
        %dma_wait3A_50 = tpu.memref_slice %arg4[%mul3A_13, %dma_wait3A_49] : memref<2560x128xi32, #tpu.memory_space<hbm>> -> memref<120x128xi32, #tpu.memory_space<hbm>>
        tpu.wait_dma2 semaphore(%run_scoped3A : memref<!tpu.dma_semaphore, #tpu.memory_space<semaphore_mem>>) src(%dma_wait3A_50 : memref<120x128xi32, #tpu.memory_space<hbm>>) dst(%dma_wait3A_48 : memref<120x128xi32, #tpu.memory_space<vmem>>)
        tpu.yield
      }) : () -> ()
      %dma_start3A = arith.constant 0 : i32
      %dma_start3A_14 = arith.constant 0 : i32
      %dma_start3A_15 = tpu.memref_slice %arg7[%dma_start3A, %dma_start3A_14] : memref<120x128xi32, #tpu.memory_space<vmem>> -> memref<1x128xi32, #tpu.memory_space<vmem>>
      %dma_start3A_16 = tpu.memref_squeeze %dma_start3A_15 : memref<1x128xi32, #tpu.memory_space<vmem>> -> memref<128xi32, #tpu.memory_space<vmem>>
      %dma_start3A_17 = arith.constant 0 : i32
      %dma_start3A_18 = arith.constant 0 : i32
      %dma_start3A_19 = tpu.memref_slice %arg2[%dma_start3A_17, %dma_start3A_18] : memref<10112x32xf32, #tpu.memory_space<hbm>> -> memref<10112x32xf32, #tpu.memory_space<hbm>>
      tpu.enqueue_indirect_dma source(%dma_start3A_19 : memref<10112x32xf32, #tpu.memory_space<hbm>>) target(%arg9 : memref<128x32xf32, #tpu.memory_space<vmem>>) offsets(%dma_start3A_16 : memref<128xi32, #tpu.memory_space<vmem>>) semaphore(%arg13 : memref<!tpu.dma_semaphore, #tpu.memory_space<semaphore_mem>>)
      %dma_start3A_20 = arith.constant 1 : i32
      %dma_start3A_21 = arith.constant 0 : i32
      %dma_start3A_22 = tpu.memref_slice %arg7[%dma_start3A_20, %dma_start3A_21] : memref<120x128xi32, #tpu.memory_space<vmem>> -> memref<1x128xi32, #tpu.memory_space<vmem>>
      %dma_start3A_23 = tpu.memref_squeeze %dma_start3A_22 : memref<1x128xi32, #tpu.memory_space<vmem>> -> memref<128xi32, #tpu.memory_space<vmem>>
      %dma_start3A_24 = arith.constant 0 : i32
      %dma_start3A_25 = arith.constant 0 : i32
      %dma_start3A_26 = tpu.memref_slice %arg2[%dma_start3A_24, %dma_start3A_25] : memref<10112x32xf32, #tpu.memory_space<hbm>> -> memref<10112x32xf32, #tpu.memory_space<hbm>>
      tpu.enqueue_indirect_dma source(%dma_start3A_26 : memref<10112x32xf32, #tpu.memory_space<hbm>>) target(%arg10 : memref<128x32xf32, #tpu.memory_space<vmem>>) offsets(%dma_start3A_23 : memref<128xi32, #tpu.memory_space<vmem>>) semaphore(%arg14 : memref<!tpu.dma_semaphore, #tpu.memory_space<semaphore_mem>>)
      %scan3A = arith.constant 0 : i32
      %scan3A_27 = arith.constant 0 : i32
      %scan3A_28 = arith.constant 60 : i32
      %scan3A_29 = arith.addi %scan3A_27, %scan3A_28 : i32
      %scan3A_30 = arith.constant 1 : i32
      scf.for %scan3A_32 = %scan3A_27 to %scan3A_29 step %scan3A_30  : i32 {
        %mul3A_33 = arith.constant 2 : i32
        %mul3A_34 = arith.muli %mul3A_33, %scan3A_32 : i32
        %dma_wait3A = arith.constant 0 : i32
        %dma_wait3A_35 = tpu.memref_slice %arg7[%mul3A_34, %dma_wait3A] : memref<120x128xi32, #tpu.memory_space<vmem>> -> memref<1x128xi32, #tpu.memory_space<vmem>>
        %dma_wait3A_36 = tpu.memref_squeeze %dma_wait3A_35 : memref<1x128xi32, #tpu.memory_space<vmem>> -> memref<128xi32, #tpu.memory_space<vmem>>
        %dma_wait3A_37 = arith.constant 0 : i32
        %dma_wait3A_38 = arith.constant 0 : i32
        %dma_wait3A_39 = tpu.memref_slice %arg2[%dma_wait3A_37, %dma_wait3A_38] : memref<10112x32xf32, #tpu.memory_space<hbm>> -> memref<10112x32xf32, #tpu.memory_space<hbm>>
        tpu.wait_indirect_dma semaphore(%arg13 : memref<!tpu.dma_semaphore, #tpu.memory_space<semaphore_mem>>) src(%dma_wait3A_39 : memref<10112x32xf32, #tpu.memory_space<hbm>>) dst(%arg9 : memref<128x32xf32, #tpu.memory_space<vmem>>)
        "tpu.region"() ({
          %run_scoped3A = tpu.sem_alloc : memref<!tpu.dma_semaphore, #tpu.memory_space<semaphore_mem>>
          %dma_start3A_56 = arith.constant 0 : i32
          %dma_start3A_57 = tpu.memref_slice %arg8[%mul3A_34, %dma_start3A_56] : memref<120x128xi32, #tpu.memory_space<vmem>> -> memref<1x128xi32, #tpu.memory_space<vmem>>
          %dma_start3A_58 = tpu.memref_squeeze %dma_start3A_57 : memref<1x128xi32, #tpu.memory_space<vmem>> -> memref<128xi32, #tpu.memory_space<vmem>>
          %dma_start3A_59 = arith.constant 0 : i32
          %dma_start3A_60 = arith.constant 0 : i32
          %dma_start3A_61 = tpu.memref_slice %arg12[%dma_start3A_59, %dma_start3A_60] : memref<10112x32xf32, #tpu.memory_space<vmem_shared>> -> memref<10112x32xf32, #tpu.memory_space<vmem_shared>>
          tpu.enqueue_indirect_dma source(%arg9 : memref<128x32xf32, #tpu.memory_space<vmem>>) target(%dma_start3A_61 : memref<10112x32xf32, #tpu.memory_space<vmem_shared>>) offsets(%dma_start3A_58 : memref<128xi32, #tpu.memory_space<vmem>>) semaphore(%run_scoped3A : memref<!tpu.dma_semaphore, #tpu.memory_space<semaphore_mem>>) {add = true}
          %dma_wait3A_62 = arith.constant 0 : i32
          %dma_wait3A_63 = tpu.memref_slice %arg8[%mul3A_34, %dma_wait3A_62] : memref<120x128xi32, #tpu.memory_space<vmem>> -> memref<1x128xi32, #tpu.memory_space<vmem>>
          %dma_wait3A_64 = tpu.memref_squeeze %dma_wait3A_63 : memref<1x128xi32, #tpu.memory_space<vmem>> -> memref<128xi32, #tpu.memory_space<vmem>>
          %dma_wait3A_65 = arith.constant 0 : i32
          %dma_wait3A_66 = arith.constant 0 : i32
          %dma_wait3A_67 = tpu.memref_slice %arg12[%dma_wait3A_65, %dma_wait3A_66] : memref<10112x32xf32, #tpu.memory_space<vmem_shared>> -> memref<10112x32xf32, #tpu.memory_space<vmem_shared>>
          tpu.wait_indirect_dma semaphore(%run_scoped3A : memref<!tpu.dma_semaphore, #tpu.memory_space<semaphore_mem>>) src(%arg9 : memref<128x32xf32, #tpu.memory_space<vmem>>) dst(%dma_wait3A_67 : memref<10112x32xf32, #tpu.memory_space<vmem_shared>>)
          tpu.yield
        }) : () -> ()
        %lt3A = arith.constant 59 : i32
        %lt3A_40 = arith.cmpi slt, %scan3A_32, %lt3A : i32
        %convert_element_type3A_41 = arith.extui %lt3A_40 : i1 to i32
        %cond3A_42 = arith.constant 0 : i32
        %cond3A_43 = arith.cmpi ne, %convert_element_type3A_41, %cond3A_42 : i32
        scf.if %cond3A_43 {
          %add3A_56 = arith.constant 2 : i32
          %add3A_57 = arith.addi %mul3A_34, %add3A_56 : i32
          %dma_start3A_58 = arith.constant 0 : i32
          %dma_start3A_59 = tpu.memref_slice %arg7[%add3A_57, %dma_start3A_58] : memref<120x128xi32, #tpu.memory_space<vmem>> -> memref<1x128xi32, #tpu.memory_space<vmem>>
          %dma_start3A_60 = tpu.memref_squeeze %dma_start3A_59 : memref<1x128xi32, #tpu.memory_space<vmem>> -> memref<128xi32, #tpu.memory_space<vmem>>
          %dma_start3A_61 = arith.constant 0 : i32
          %dma_start3A_62 = arith.constant 0 : i32
          %dma_start3A_63 = tpu.memref_slice %arg2[%dma_start3A_61, %dma_start3A_62] : memref<10112x32xf32, #tpu.memory_space<hbm>> -> memref<10112x32xf32, #tpu.memory_space<hbm>>
          tpu.enqueue_indirect_dma source(%dma_start3A_63 : memref<10112x32xf32, #tpu.memory_space<hbm>>) target(%arg9 : memref<128x32xf32, #tpu.memory_space<vmem>>) offsets(%dma_start3A_60 : memref<128xi32, #tpu.memory_space<vmem>>) semaphore(%arg13 : memref<!tpu.dma_semaphore, #tpu.memory_space<semaphore_mem>>)
        } else {
        }
        %add3A = arith.constant 1 : i32
        %add3A_44 = arith.addi %mul3A_34, %add3A : i32
        %dma_wait3A_45 = arith.constant 0 : i32
        %dma_wait3A_46 = tpu.memref_slice %arg7[%add3A_44, %dma_wait3A_45] : memref<120x128xi32, #tpu.memory_space<vmem>> -> memref<1x128xi32, #tpu.memory_space<vmem>>
        %dma_wait3A_47 = tpu.memref_squeeze %dma_wait3A_46 : memref<1x128xi32, #tpu.memory_space<vmem>> -> memref<128xi32, #tpu.memory_space<vmem>>
        %dma_wait3A_48 = arith.constant 0 : i32
        %dma_wait3A_49 = arith.constant 0 : i32
        %dma_wait3A_50 = tpu.memref_slice %arg2[%dma_wait3A_48, %dma_wait3A_49] : memref<10112x32xf32, #tpu.memory_space<hbm>> -> memref<10112x32xf32, #tpu.memory_space<hbm>>
        tpu.wait_indirect_dma semaphore(%arg14 : memref<!tpu.dma_semaphore, #tpu.memory_space<semaphore_mem>>) src(%dma_wait3A_50 : memref<10112x32xf32, #tpu.memory_space<hbm>>) dst(%arg10 : memref<128x32xf32, #tpu.memory_space<vmem>>)
        "tpu.region"() ({
          %run_scoped3A = tpu.sem_alloc : memref<!tpu.dma_semaphore, #tpu.memory_space<semaphore_mem>>
          %dma_start3A_56 = arith.constant 0 : i32
          %dma_start3A_57 = tpu.memref_slice %arg8[%add3A_44, %dma_start3A_56] : memref<120x128xi32, #tpu.memory_space<vmem>> -> memref<1x128xi32, #tpu.memory_space<vmem>>
          %dma_start3A_58 = tpu.memref_squeeze %dma_start3A_57 : memref<1x128xi32, #tpu.memory_space<vmem>> -> memref<128xi32, #tpu.memory_space<vmem>>
          %dma_start3A_59 = arith.constant 0 : i32
          %dma_start3A_60 = arith.constant 0 : i32
          %dma_start3A_61 = tpu.memref_slice %arg12[%dma_start3A_59, %dma_start3A_60] : memref<10112x32xf32, #tpu.memory_space<vmem_shared>> -> memref<10112x32xf32, #tpu.memory_space<vmem_shared>>
          tpu.enqueue_indirect_dma source(%arg10 : memref<128x32xf32, #tpu.memory_space<vmem>>) target(%dma_start3A_61 : memref<10112x32xf32, #tpu.memory_space<vmem_shared>>) offsets(%dma_start3A_58 : memref<128xi32, #tpu.memory_space<vmem>>) semaphore(%run_scoped3A : memref<!tpu.dma_semaphore, #tpu.memory_space<semaphore_mem>>) {add = true}
          %dma_wait3A_62 = arith.constant 0 : i32
          %dma_wait3A_63 = tpu.memref_slice %arg8[%add3A_44, %dma_wait3A_62] : memref<120x128xi32, #tpu.memory_space<vmem>> -> memref<1x128xi32, #tpu.memory_space<vmem>>
          %dma_wait3A_64 = tpu.memref_squeeze %dma_wait3A_63 : memref<1x128xi32, #tpu.memory_space<vmem>> -> memref<128xi32, #tpu.memory_space<vmem>>
          %dma_wait3A_65 = arith.constant 0 : i32
          %dma_wait3A_66 = arith.constant 0 : i32
          %dma_wait3A_67 = tpu.memref_slice %arg12[%dma_wait3A_65, %dma_wait3A_66] : memref<10112x32xf32, #tpu.memory_space<vmem_shared>> -> memref<10112x32xf32, #tpu.memory_space<vmem_shared>>
          tpu.wait_indirect_dma semaphore(%run_scoped3A : memref<!tpu.dma_semaphore, #tpu.memory_space<semaphore_mem>>) src(%arg10 : memref<128x32xf32, #tpu.memory_space<vmem>>) dst(%dma_wait3A_67 : memref<10112x32xf32, #tpu.memory_space<vmem_shared>>)
          tpu.yield
        }) : () -> ()
        %lt3A_51 = arith.constant 59 : i32
        %lt3A_52 = arith.cmpi slt, %scan3A_32, %lt3A_51 : i32
        %convert_element_type3A_53 = arith.extui %lt3A_52 : i1 to i32
        %cond3A_54 = arith.constant 0 : i32
        %cond3A_55 = arith.cmpi ne, %convert_element_type3A_53, %cond3A_54 : i32
        scf.if %cond3A_55 {
          %add3A_56 = arith.constant 2 : i32
          %add3A_57 = arith.addi %add3A_44, %add3A_56 : i32
          %dma_start3A_58 = arith.constant 0 : i32
          %dma_start3A_59 = tpu.memref_slice %arg7[%add3A_57, %dma_start3A_58] : memref<120x128xi32, #tpu.memory_space<vmem>> -> memref<1x128xi32, #tpu.memory_space<vmem>>
          %dma_start3A_60 = tpu.memref_squeeze %dma_start3A_59 : memref<1x128xi32, #tpu.memory_space<vmem>> -> memref<128xi32, #tpu.memory_space<vmem>>
          %dma_start3A_61 = arith.constant 0 : i32
          %dma_start3A_62 = arith.constant 0 : i32
          %dma_start3A_63 = tpu.memref_slice %arg2[%dma_start3A_61, %dma_start3A_62] : memref<10112x32xf32, #tpu.memory_space<hbm>> -> memref<10112x32xf32, #tpu.memory_space<hbm>>
          tpu.enqueue_indirect_dma source(%dma_start3A_63 : memref<10112x32xf32, #tpu.memory_space<hbm>>) target(%arg10 : memref<128x32xf32, #tpu.memory_space<vmem>>) offsets(%dma_start3A_60 : memref<128xi32, #tpu.memory_space<vmem>>) semaphore(%arg14 : memref<!tpu.dma_semaphore, #tpu.memory_space<semaphore_mem>>)
        } else {
        }
      }
      %scan3A_31 = arith.constant 60 : i32
    } else {
    }
    %eq3A_5 = arith.constant 1 : i32
    %eq3A_6 = arith.cmpi eq, %arg0, %eq3A_5 : i32
    %convert_element_type3A_7 = arith.extui %eq3A_6 : i1 to i32
    %cond3A_8 = arith.constant 0 : i32
    %cond3A_9 = arith.cmpi ne, %convert_element_type3A_7, %cond3A_8 : i32
    scf.if %cond3A_9 {
      %mul3A_12 = arith.constant 160 : i32
      %mul3A_13 = arith.muli %arg1, %mul3A_12 : i32
      %add3A = arith.constant 120 : i32
      %add3A_14 = arith.addi %mul3A_13, %add3A : i32
      "tpu.region"() ({
        %run_scoped3A = tpu.sem_alloc : memref<!tpu.dma_semaphore, #tpu.memory_space<semaphore_mem>>
        %dma_start3A_33 = arith.constant 0 : i32
        %dma_start3A_34 = arith.constant 0 : i32
        %dma_start3A_35 = tpu.memref_slice %arg7[%dma_start3A_33, %dma_start3A_34] : memref<120x128xi32, #tpu.memory_space<vmem>> -> memref<40x128xi32, #tpu.memory_space<vmem>>
        %dma_start3A_36 = arith.constant 0 : i32
        %dma_start3A_37 = tpu.memref_slice %arg3[%add3A_14, %dma_start3A_36] : memref<2560x128xi32, #tpu.memory_space<hbm>> -> memref<40x128xi32, #tpu.memory_space<hbm>>
        %dma_start3A_38 = arith.constant 0 : i32
        %dma_start3A_39 = arith.constant 0 : i32
        %dma_start3A_40 = tpu.memref_slice %arg7[%dma_start3A_38, %dma_start3A_39] : memref<120x128xi32, #tpu.memory_space<vmem>> -> memref<40x128xi32, #tpu.memory_space<vmem>>
        %dma_start3A_41 = arith.constant 0 : i32
        %dma_start3A_42 = tpu.memref_slice %arg3[%add3A_14, %dma_start3A_41] : memref<2560x128xi32, #tpu.memory_space<hbm>> -> memref<40x128xi32, #tpu.memory_space<hbm>>
        tpu.enqueue_dma source(%dma_start3A_42 : memref<40x128xi32, #tpu.memory_space<hbm>>) target(%dma_start3A_40 : memref<40x128xi32, #tpu.memory_space<vmem>>) target_semaphore(%run_scoped3A : memref<!tpu.dma_semaphore, #tpu.memory_space<semaphore_mem>>)
        %dma_wait3A = arith.constant 0 : i32
        %dma_wait3A_43 = arith.constant 0 : i32
        %dma_wait3A_44 = tpu.memref_slice %arg7[%dma_wait3A, %dma_wait3A_43] : memref<120x128xi32, #tpu.memory_space<vmem>> -> memref<40x128xi32, #tpu.memory_space<vmem>>
        %dma_wait3A_45 = arith.constant 0 : i32
        %dma_wait3A_46 = tpu.memref_slice %arg3[%add3A_14, %dma_wait3A_45] : memref<2560x128xi32, #tpu.memory_space<hbm>> -> memref<40x128xi32, #tpu.memory_space<hbm>>
        %dma_wait3A_47 = arith.constant 0 : i32
        %dma_wait3A_48 = arith.constant 0 : i32
        %dma_wait3A_49 = tpu.memref_slice %arg7[%dma_wait3A_47, %dma_wait3A_48] : memref<120x128xi32, #tpu.memory_space<vmem>> -> memref<40x128xi32, #tpu.memory_space<vmem>>
        %dma_wait3A_50 = arith.constant 0 : i32
        %dma_wait3A_51 = tpu.memref_slice %arg3[%add3A_14, %dma_wait3A_50] : memref<2560x128xi32, #tpu.memory_space<hbm>> -> memref<40x128xi32, #tpu.memory_space<hbm>>
        tpu.wait_dma2 semaphore(%run_scoped3A : memref<!tpu.dma_semaphore, #tpu.memory_space<semaphore_mem>>) src(%dma_wait3A_51 : memref<40x128xi32, #tpu.memory_space<hbm>>) dst(%dma_wait3A_49 : memref<40x128xi32, #tpu.memory_space<vmem>>)
        tpu.yield
      }) : () -> ()
      "tpu.region"() ({
        %run_scoped3A = tpu.sem_alloc : memref<!tpu.dma_semaphore, #tpu.memory_space<semaphore_mem>>
        %dma_start3A_33 = arith.constant 0 : i32
        %dma_start3A_34 = arith.constant 0 : i32
        %dma_start3A_35 = tpu.memref_slice %arg8[%dma_start3A_33, %dma_start3A_34] : memref<120x128xi32, #tpu.memory_space<vmem>> -> memref<40x128xi32, #tpu.memory_space<vmem>>
        %dma_start3A_36 = arith.constant 0 : i32
        %dma_start3A_37 = tpu.memref_slice %arg4[%add3A_14, %dma_start3A_36] : memref<2560x128xi32, #tpu.memory_space<hbm>> -> memref<40x128xi32, #tpu.memory_space<hbm>>
        %dma_start3A_38 = arith.constant 0 : i32
        %dma_start3A_39 = arith.constant 0 : i32
        %dma_start3A_40 = tpu.memref_slice %arg8[%dma_start3A_38, %dma_start3A_39] : memref<120x128xi32, #tpu.memory_space<vmem>> -> memref<40x128xi32, #tpu.memory_space<vmem>>
        %dma_start3A_41 = arith.constant 0 : i32
        %dma_start3A_42 = tpu.memref_slice %arg4[%add3A_14, %dma_start3A_41] : memref<2560x128xi32, #tpu.memory_space<hbm>> -> memref<40x128xi32, #tpu.memory_space<hbm>>
        tpu.enqueue_dma source(%dma_start3A_42 : memref<40x128xi32, #tpu.memory_space<hbm>>) target(%dma_start3A_40 : memref<40x128xi32, #tpu.memory_space<vmem>>) target_semaphore(%run_scoped3A : memref<!tpu.dma_semaphore, #tpu.memory_space<semaphore_mem>>)
        %dma_wait3A = arith.constant 0 : i32
        %dma_wait3A_43 = arith.constant 0 : i32
        %dma_wait3A_44 = tpu.memref_slice %arg8[%dma_wait3A, %dma_wait3A_43] : memref<120x128xi32, #tpu.memory_space<vmem>> -> memref<40x128xi32, #tpu.memory_space<vmem>>
        %dma_wait3A_45 = arith.constant 0 : i32
        %dma_wait3A_46 = tpu.memref_slice %arg4[%add3A_14, %dma_wait3A_45] : memref<2560x128xi32, #tpu.memory_space<hbm>> -> memref<40x128xi32, #tpu.memory_space<hbm>>
        %dma_wait3A_47 = arith.constant 0 : i32
        %dma_wait3A_48 = arith.constant 0 : i32
        %dma_wait3A_49 = tpu.memref_slice %arg8[%dma_wait3A_47, %dma_wait3A_48] : memref<120x128xi32, #tpu.memory_space<vmem>> -> memref<40x128xi32, #tpu.memory_space<vmem>>
        %dma_wait3A_50 = arith.constant 0 : i32
        %dma_wait3A_51 = tpu.memref_slice %arg4[%add3A_14, %dma_wait3A_50] : memref<2560x128xi32, #tpu.memory_space<hbm>> -> memref<40x128xi32, #tpu.memory_space<hbm>>
        tpu.wait_dma2 semaphore(%run_scoped3A : memref<!tpu.dma_semaphore, #tpu.memory_space<semaphore_mem>>) src(%dma_wait3A_51 : memref<40x128xi32, #tpu.memory_space<hbm>>) dst(%dma_wait3A_49 : memref<40x128xi32, #tpu.memory_space<vmem>>)
        tpu.yield
      }) : () -> ()
      %dma_start3A = arith.constant 0 : i32
      %dma_start3A_15 = arith.constant 0 : i32
      %dma_start3A_16 = tpu.memref_slice %arg7[%dma_start3A, %dma_start3A_15] : memref<120x128xi32, #tpu.memory_space<vmem>> -> memref<1x128xi32, #tpu.memory_space<vmem>>
      %dma_start3A_17 = tpu.memref_squeeze %dma_start3A_16 : memref<1x128xi32, #tpu.memory_space<vmem>> -> memref<128xi32, #tpu.memory_space<vmem>>
      %dma_start3A_18 = arith.constant 0 : i32
      %dma_start3A_19 = arith.constant 0 : i32
      %dma_start3A_20 = tpu.memref_slice %arg2[%dma_start3A_18, %dma_start3A_19] : memref<10112x32xf32, #tpu.memory_space<hbm>> -> memref<10112x32xf32, #tpu.memory_space<hbm>>
      tpu.enqueue_indirect_dma source(%dma_start3A_20 : memref<10112x32xf32, #tpu.memory_space<hbm>>) target(%arg9 : memref<128x32xf32, #tpu.memory_space<vmem>>) offsets(%dma_start3A_17 : memref<128xi32, #tpu.memory_space<vmem>>) semaphore(%arg13 : memref<!tpu.dma_semaphore, #tpu.memory_space<semaphore_mem>>)
      %dma_start3A_21 = arith.constant 1 : i32
      %dma_start3A_22 = arith.constant 0 : i32
      %dma_start3A_23 = tpu.memref_slice %arg7[%dma_start3A_21, %dma_start3A_22] : memref<120x128xi32, #tpu.memory_space<vmem>> -> memref<1x128xi32, #tpu.memory_space<vmem>>
      %dma_start3A_24 = tpu.memref_squeeze %dma_start3A_23 : memref<1x128xi32, #tpu.memory_space<vmem>> -> memref<128xi32, #tpu.memory_space<vmem>>
      %dma_start3A_25 = arith.constant 0 : i32
      %dma_start3A_26 = arith.constant 0 : i32
      %dma_start3A_27 = tpu.memref_slice %arg2[%dma_start3A_25, %dma_start3A_26] : memref<10112x32xf32, #tpu.memory_space<hbm>> -> memref<10112x32xf32, #tpu.memory_space<hbm>>
      tpu.enqueue_indirect_dma source(%dma_start3A_27 : memref<10112x32xf32, #tpu.memory_space<hbm>>) target(%arg10 : memref<128x32xf32, #tpu.memory_space<vmem>>) offsets(%dma_start3A_24 : memref<128xi32, #tpu.memory_space<vmem>>) semaphore(%arg14 : memref<!tpu.dma_semaphore, #tpu.memory_space<semaphore_mem>>)
      %scan3A = arith.constant 0 : i32
      %scan3A_28 = arith.constant 0 : i32
      %scan3A_29 = arith.constant 20 : i32
      %scan3A_30 = arith.addi %scan3A_28, %scan3A_29 : i32
      %scan3A_31 = arith.constant 1 : i32
      scf.for %scan3A_33 = %scan3A_28 to %scan3A_30 step %scan3A_31  : i32 {
        %mul3A_34 = arith.constant 2 : i32
        %mul3A_35 = arith.muli %mul3A_34, %scan3A_33 : i32
        %dma_wait3A = arith.constant 0 : i32
        %dma_wait3A_36 = tpu.memref_slice %arg7[%mul3A_35, %dma_wait3A] : memref<120x128xi32, #tpu.memory_space<vmem>> -> memref<1x128xi32, #tpu.memory_space<vmem>>
        %dma_wait3A_37 = tpu.memref_squeeze %dma_wait3A_36 : memref<1x128xi32, #tpu.memory_space<vmem>> -> memref<128xi32, #tpu.memory_space<vmem>>
        %dma_wait3A_38 = arith.constant 0 : i32
        %dma_wait3A_39 = arith.constant 0 : i32
        %dma_wait3A_40 = tpu.memref_slice %arg2[%dma_wait3A_38, %dma_wait3A_39] : memref<10112x32xf32, #tpu.memory_space<hbm>> -> memref<10112x32xf32, #tpu.memory_space<hbm>>
        tpu.wait_indirect_dma semaphore(%arg13 : memref<!tpu.dma_semaphore, #tpu.memory_space<semaphore_mem>>) src(%dma_wait3A_40 : memref<10112x32xf32, #tpu.memory_space<hbm>>) dst(%arg9 : memref<128x32xf32, #tpu.memory_space<vmem>>)
        "tpu.region"() ({
          %run_scoped3A = tpu.sem_alloc : memref<!tpu.dma_semaphore, #tpu.memory_space<semaphore_mem>>
          %dma_start3A_58 = arith.constant 0 : i32
          %dma_start3A_59 = tpu.memref_slice %arg8[%mul3A_35, %dma_start3A_58] : memref<120x128xi32, #tpu.memory_space<vmem>> -> memref<1x128xi32, #tpu.memory_space<vmem>>
          %dma_start3A_60 = tpu.memref_squeeze %dma_start3A_59 : memref<1x128xi32, #tpu.memory_space<vmem>> -> memref<128xi32, #tpu.memory_space<vmem>>
          %dma_start3A_61 = arith.constant 0 : i32
          %dma_start3A_62 = arith.constant 0 : i32
          %dma_start3A_63 = tpu.memref_slice %arg12[%dma_start3A_61, %dma_start3A_62] : memref<10112x32xf32, #tpu.memory_space<vmem_shared>> -> memref<10112x32xf32, #tpu.memory_space<vmem_shared>>
          tpu.enqueue_indirect_dma source(%arg9 : memref<128x32xf32, #tpu.memory_space<vmem>>) target(%dma_start3A_63 : memref<10112x32xf32, #tpu.memory_space<vmem_shared>>) offsets(%dma_start3A_60 : memref<128xi32, #tpu.memory_space<vmem>>) semaphore(%run_scoped3A : memref<!tpu.dma_semaphore, #tpu.memory_space<semaphore_mem>>) {add = true}
          %dma_wait3A_64 = arith.constant 0 : i32
          %dma_wait3A_65 = tpu.memref_slice %arg8[%mul3A_35, %dma_wait3A_64] : memref<120x128xi32, #tpu.memory_space<vmem>> -> memref<1x128xi32, #tpu.memory_space<vmem>>
          %dma_wait3A_66 = tpu.memref_squeeze %dma_wait3A_65 : memref<1x128xi32, #tpu.memory_space<vmem>> -> memref<128xi32, #tpu.memory_space<vmem>>
          %dma_wait3A_67 = arith.constant 0 : i32
          %dma_wait3A_68 = arith.constant 0 : i32
          %dma_wait3A_69 = tpu.memref_slice %arg12[%dma_wait3A_67, %dma_wait3A_68] : memref<10112x32xf32, #tpu.memory_space<vmem_shared>> -> memref<10112x32xf32, #tpu.memory_space<vmem_shared>>
          tpu.wait_indirect_dma semaphore(%run_scoped3A : memref<!tpu.dma_semaphore, #tpu.memory_space<semaphore_mem>>) src(%arg9 : memref<128x32xf32, #tpu.memory_space<vmem>>) dst(%dma_wait3A_69 : memref<10112x32xf32, #tpu.memory_space<vmem_shared>>)
          tpu.yield
        }) : () -> ()
        %lt3A = arith.constant 19 : i32
        %lt3A_41 = arith.cmpi slt, %scan3A_33, %lt3A : i32
        %convert_element_type3A_42 = arith.extui %lt3A_41 : i1 to i32
        %cond3A_43 = arith.constant 0 : i32
        %cond3A_44 = arith.cmpi ne, %convert_element_type3A_42, %cond3A_43 : i32
        scf.if %cond3A_44 {
          %add3A_58 = arith.constant 2 : i32
          %add3A_59 = arith.addi %mul3A_35, %add3A_58 : i32
          %dma_start3A_60 = arith.constant 0 : i32
          %dma_start3A_61 = tpu.memref_slice %arg7[%add3A_59, %dma_start3A_60] : memref<120x128xi32, #tpu.memory_space<vmem>> -> memref<1x128xi32, #tpu.memory_space<vmem>>
          %dma_start3A_62 = tpu.memref_squeeze %dma_start3A_61 : memref<1x128xi32, #tpu.memory_space<vmem>> -> memref<128xi32, #tpu.memory_space<vmem>>
          %dma_start3A_63 = arith.constant 0 : i32
          %dma_start3A_64 = arith.constant 0 : i32
          %dma_start3A_65 = tpu.memref_slice %arg2[%dma_start3A_63, %dma_start3A_64] : memref<10112x32xf32, #tpu.memory_space<hbm>> -> memref<10112x32xf32, #tpu.memory_space<hbm>>
          tpu.enqueue_indirect_dma source(%dma_start3A_65 : memref<10112x32xf32, #tpu.memory_space<hbm>>) target(%arg9 : memref<128x32xf32, #tpu.memory_space<vmem>>) offsets(%dma_start3A_62 : memref<128xi32, #tpu.memory_space<vmem>>) semaphore(%arg13 : memref<!tpu.dma_semaphore, #tpu.memory_space<semaphore_mem>>)
        } else {
        }
        %add3A_45 = arith.constant 1 : i32
        %add3A_46 = arith.addi %mul3A_35, %add3A_45 : i32
        %dma_wait3A_47 = arith.constant 0 : i32
        %dma_wait3A_48 = tpu.memref_slice %arg7[%add3A_46, %dma_wait3A_47] : memref<120x128xi32, #tpu.memory_space<vmem>> -> memref<1x128xi32, #tpu.memory_space<vmem>>
        %dma_wait3A_49 = tpu.memref_squeeze %dma_wait3A_48 : memref<1x128xi32, #tpu.memory_space<vmem>> -> memref<128xi32, #tpu.memory_space<vmem>>
        %dma_wait3A_50 = arith.constant 0 : i32
        %dma_wait3A_51 = arith.constant 0 : i32
        %dma_wait3A_52 = tpu.memref_slice %arg2[%dma_wait3A_50, %dma_wait3A_51] : memref<10112x32xf32, #tpu.memory_space<hbm>> -> memref<10112x32xf32, #tpu.memory_space<hbm>>
        tpu.wait_indirect_dma semaphore(%arg14 : memref<!tpu.dma_semaphore, #tpu.memory_space<semaphore_mem>>) src(%dma_wait3A_52 : memref<10112x32xf32, #tpu.memory_space<hbm>>) dst(%arg10 : memref<128x32xf32, #tpu.memory_space<vmem>>)
        "tpu.region"() ({
          %run_scoped3A = tpu.sem_alloc : memref<!tpu.dma_semaphore, #tpu.memory_space<semaphore_mem>>
          %dma_start3A_58 = arith.constant 0 : i32
          %dma_start3A_59 = tpu.memref_slice %arg8[%add3A_46, %dma_start3A_58] : memref<120x128xi32, #tpu.memory_space<vmem>> -> memref<1x128xi32, #tpu.memory_space<vmem>>
          %dma_start3A_60 = tpu.memref_squeeze %dma_start3A_59 : memref<1x128xi32, #tpu.memory_space<vmem>> -> memref<128xi32, #tpu.memory_space<vmem>>
          %dma_start3A_61 = arith.constant 0 : i32
          %dma_start3A_62 = arith.constant 0 : i32
          %dma_start3A_63 = tpu.memref_slice %arg12[%dma_start3A_61, %dma_start3A_62] : memref<10112x32xf32, #tpu.memory_space<vmem_shared>> -> memref<10112x32xf32, #tpu.memory_space<vmem_shared>>
          tpu.enqueue_indirect_dma source(%arg10 : memref<128x32xf32, #tpu.memory_space<vmem>>) target(%dma_start3A_63 : memref<10112x32xf32, #tpu.memory_space<vmem_shared>>) offsets(%dma_start3A_60 : memref<128xi32, #tpu.memory_space<vmem>>) semaphore(%run_scoped3A : memref<!tpu.dma_semaphore, #tpu.memory_space<semaphore_mem>>) {add = true}
          %dma_wait3A_64 = arith.constant 0 : i32
          %dma_wait3A_65 = tpu.memref_slice %arg8[%add3A_46, %dma_wait3A_64] : memref<120x128xi32, #tpu.memory_space<vmem>> -> memref<1x128xi32, #tpu.memory_space<vmem>>
          %dma_wait3A_66 = tpu.memref_squeeze %dma_wait3A_65 : memref<1x128xi32, #tpu.memory_space<vmem>> -> memref<128xi32, #tpu.memory_space<vmem>>
          %dma_wait3A_67 = arith.constant 0 : i32
          %dma_wait3A_68 = arith.constant 0 : i32
          %dma_wait3A_69 = tpu.memref_slice %arg12[%dma_wait3A_67, %dma_wait3A_68] : memref<10112x32xf32, #tpu.memory_space<vmem_shared>> -> memref<10112x32xf32, #tpu.memory_space<vmem_shared>>
          tpu.wait_indirect_dma semaphore(%run_scoped3A : memref<!tpu.dma_semaphore, #tpu.memory_space<semaphore_mem>>) src(%arg10 : memref<128x32xf32, #tpu.memory_space<vmem>>) dst(%dma_wait3A_69 : memref<10112x32xf32, #tpu.memory_space<vmem_shared>>)
          tpu.yield
        }) : () -> ()
        %lt3A_53 = arith.constant 19 : i32
        %lt3A_54 = arith.cmpi slt, %scan3A_33, %lt3A_53 : i32
        %convert_element_type3A_55 = arith.extui %lt3A_54 : i1 to i32
        %cond3A_56 = arith.constant 0 : i32
        %cond3A_57 = arith.cmpi ne, %convert_element_type3A_55, %cond3A_56 : i32
        scf.if %cond3A_57 {
          %add3A_58 = arith.constant 2 : i32
          %add3A_59 = arith.addi %add3A_46, %add3A_58 : i32
          %dma_start3A_60 = arith.constant 0 : i32
          %dma_start3A_61 = tpu.memref_slice %arg7[%add3A_59, %dma_start3A_60] : memref<120x128xi32, #tpu.memory_space<vmem>> -> memref<1x128xi32, #tpu.memory_space<vmem>>
          %dma_start3A_62 = tpu.memref_squeeze %dma_start3A_61 : memref<1x128xi32, #tpu.memory_space<vmem>> -> memref<128xi32, #tpu.memory_space<vmem>>
          %dma_start3A_63 = arith.constant 0 : i32
          %dma_start3A_64 = arith.constant 0 : i32
          %dma_start3A_65 = tpu.memref_slice %arg2[%dma_start3A_63, %dma_start3A_64] : memref<10112x32xf32, #tpu.memory_space<hbm>> -> memref<10112x32xf32, #tpu.memory_space<hbm>>
          tpu.enqueue_indirect_dma source(%dma_start3A_65 : memref<10112x32xf32, #tpu.memory_space<hbm>>) target(%arg10 : memref<128x32xf32, #tpu.memory_space<vmem>>) offsets(%dma_start3A_62 : memref<128xi32, #tpu.memory_space<vmem>>) semaphore(%arg14 : memref<!tpu.dma_semaphore, #tpu.memory_space<semaphore_mem>>)
        } else {
        }
      }
      %scan3A_32 = arith.constant 20 : i32
    } else {
    }
    %barrier3A = arith.constant 0 : index
    tpu.barrier barrier_id(%barrier3A)
    %mul3A_10 = arith.constant 632 : i32
    %mul3A_11 = arith.muli %arg1, %mul3A_10 : i32
    "tpu.region"() ({
      %run_scoped3A = tpu.sem_alloc : memref<!tpu.dma_semaphore, #tpu.memory_space<semaphore_mem>>
      %dma_start3A = arith.constant 0 : i32
      %dma_start3A_12 = tpu.memref_slice %arg12[%mul3A_11, %dma_start3A] : memref<10112x32xf32, #tpu.memory_space<vmem_shared>> -> memref<632x32xf32, #tpu.memory_space<vmem_shared>>
      %dma_start3A_13 = arith.constant 0 : i32
      %dma_start3A_14 = tpu.memref_slice %arg12[%mul3A_11, %dma_start3A_13] : memref<10112x32xf32, #tpu.memory_space<vmem_shared>> -> memref<632x32xf32, #tpu.memory_space<vmem_shared>>
      tpu.enqueue_dma source(%dma_start3A_14 : memref<632x32xf32, #tpu.memory_space<vmem_shared>>) target(%arg11 : memref<632x32xf32, #tpu.memory_space<vmem>>) target_semaphore(%run_scoped3A : memref<!tpu.dma_semaphore, #tpu.memory_space<semaphore_mem>>)
      %dma_wait3A = arith.constant 0 : i32
      %dma_wait3A_15 = tpu.memref_slice %arg12[%mul3A_11, %dma_wait3A] : memref<10112x32xf32, #tpu.memory_space<vmem_shared>> -> memref<632x32xf32, #tpu.memory_space<vmem_shared>>
      %dma_wait3A_16 = arith.constant 0 : i32
      %dma_wait3A_17 = tpu.memref_slice %arg12[%mul3A_11, %dma_wait3A_16] : memref<10112x32xf32, #tpu.memory_space<vmem_shared>> -> memref<632x32xf32, #tpu.memory_space<vmem_shared>>
      tpu.wait_dma2 semaphore(%run_scoped3A : memref<!tpu.dma_semaphore, #tpu.memory_space<semaphore_mem>>) src(%dma_wait3A_17 : memref<632x32xf32, #tpu.memory_space<vmem_shared>>) dst(%arg11 : memref<632x32xf32, #tpu.memory_space<vmem>>)
      tpu.yield
    }) : () -> ()
    "tpu.region"() ({
      %run_scoped3A = tpu.sem_alloc : memref<!tpu.dma_semaphore, #tpu.memory_space<semaphore_mem>>
      %dma_start3A = arith.constant 0 : i32
      %dma_start3A_12 = arith.constant 0 : i32
      %dma_start3A_13 = tpu.memref_slice %arg6[%arg0, %arg1, %dma_start3A, %dma_start3A_12] : memref<2x16x632x32xf32, #tpu.memory_space<hbm>> -> memref<1x1x632x32xf32, #tpu.memory_space<hbm>>
      %dma_start3A_14 = tpu.memref_squeeze %dma_start3A_13 : memref<1x1x632x32xf32, #tpu.memory_space<hbm>> -> memref<632x32xf32, #tpu.memory_space<hbm>>
      %dma_start3A_15 = arith.constant 0 : i32
      %dma_start3A_16 = arith.constant 0 : i32
      %dma_start3A_17 = tpu.memref_slice %arg6[%arg0, %arg1, %dma_start3A_15, %dma_start3A_16] : memref<2x16x632x32xf32, #tpu.memory_space<hbm>> -> memref<1x1x632x32xf32, #tpu.memory_space<hbm>>
      %dma_start3A_18 = tpu.memref_squeeze %dma_start3A_17 : memref<1x1x632x32xf32, #tpu.memory_space<hbm>> -> memref<632x32xf32, #tpu.memory_space<hbm>>
      tpu.enqueue_dma source(%arg11 : memref<632x32xf32, #tpu.memory_space<vmem>>) target(%dma_start3A_18 : memref<632x32xf32, #tpu.memory_space<hbm>>) target_semaphore(%run_scoped3A : memref<!tpu.dma_semaphore, #tpu.memory_space<semaphore_mem>>)
      %dma_wait3A = arith.constant 0 : i32
      %dma_wait3A_19 = arith.constant 0 : i32
      %dma_wait3A_20 = tpu.memref_slice %arg6[%arg0, %arg1, %dma_wait3A, %dma_wait3A_19] : memref<2x16x632x32xf32, #tpu.memory_space<hbm>> -> memref<1x1x632x32xf32, #tpu.memory_space<hbm>>
      %dma_wait3A_21 = tpu.memref_squeeze %dma_wait3A_20 : memref<1x1x632x32xf32, #tpu.memory_space<hbm>> -> memref<632x32xf32, #tpu.memory_space<hbm>>
      %dma_wait3A_22 = arith.constant 0 : i32
      %dma_wait3A_23 = arith.constant 0 : i32
      %dma_wait3A_24 = tpu.memref_slice %arg6[%arg0, %arg1, %dma_wait3A_22, %dma_wait3A_23] : memref<2x16x632x32xf32, #tpu.memory_space<hbm>> -> memref<1x1x632x32xf32, #tpu.memory_space<hbm>>
      %dma_wait3A_25 = tpu.memref_squeeze %dma_wait3A_24 : memref<1x1x632x32xf32, #tpu.memory_space<hbm>> -> memref<632x32xf32, #tpu.memory_space<hbm>>
      tpu.wait_dma2 semaphore(%run_scoped3A : memref<!tpu.dma_semaphore, #tpu.memory_space<semaphore_mem>>) src(%arg11 : memref<632x32xf32, #tpu.memory_space<vmem>>) dst(%dma_wait3A_25 : memref<632x32xf32, #tpu.memory_space<hbm>>)
      tpu.yield
    }) : () -> ()
    return
  }
}

#map = affine_map<(d0, d1) -> (0, 0)>
#map1 = affine_map<(d0, d1) -> (0)>
#map2 = affine_map<(d0, d1) -> (0, 0, 0)>
module attributes {stable_mosaic.version = 14 : i64} {
  func.func @sc_deg(%arg0: i32, %arg1: i32, %arg2: memref<2560x128xi32, #tpu.memory_space<hbm>>, %arg3: memref<128xf32, #tpu.memory_space<hbm>>, %arg4: memref<10112xf32, #tpu.memory_space<hbm>>, %arg5: memref<2x16x632xf32, #tpu.memory_space<hbm>>, %arg6: memref<80x128xi32, #tpu.memory_space<vmem>>, %arg7: memref<128xf32, #tpu.memory_space<vmem>>, %arg8: memref<632xf32, #tpu.memory_space<vmem>>, %arg9: memref<10112xf32, #tpu.memory_space<vmem_shared>>) attributes {dimension_semantics = [#tpu.dimension_semantics<core_parallel>, #tpu.dimension_semantics<subcore_parallel>], iteration_bounds = array<i64: 2, 16>, scalar_prefetch = 0 : i64, scratch_operands = 4 : i64, tpu.core_type = #tpu.core_type<sc_vector_subcore>, window_params = [{transform_indices = #map}, {transform_indices = #map1}, {transform_indices = #map1}, {transform_indices = #map2}]} {
    %mul3A = arith.constant 2 : i32
    %mul3A_0 = arith.muli %arg1, %mul3A : i32
    %add3A = arith.addi %mul3A_0, %arg0 : i32
    %mul3A_1 = arith.constant 632 : i32
    %mul3A_2 = arith.muli %arg1, %mul3A_1 : i32
    "tpu.region"() ({
      %run_scoped3A = tpu.sem_alloc : memref<!tpu.dma_semaphore, #tpu.memory_space<semaphore_mem>>
      %dma_start3A = tpu.memref_slice %arg4[%mul3A_2] : memref<10112xf32, #tpu.memory_space<hbm>> -> memref<632xf32, #tpu.memory_space<hbm>>
      %dma_start3A_15 = tpu.memref_slice %arg4[%mul3A_2] : memref<10112xf32, #tpu.memory_space<hbm>> -> memref<632xf32, #tpu.memory_space<hbm>>
      tpu.enqueue_dma source(%dma_start3A_15 : memref<632xf32, #tpu.memory_space<hbm>>) target(%arg8 : memref<632xf32, #tpu.memory_space<vmem>>) target_semaphore(%run_scoped3A : memref<!tpu.dma_semaphore, #tpu.memory_space<semaphore_mem>>)
      %dma_wait3A = tpu.memref_slice %arg4[%mul3A_2] : memref<10112xf32, #tpu.memory_space<hbm>> -> memref<632xf32, #tpu.memory_space<hbm>>
      %dma_wait3A_16 = tpu.memref_slice %arg4[%mul3A_2] : memref<10112xf32, #tpu.memory_space<hbm>> -> memref<632xf32, #tpu.memory_space<hbm>>
      tpu.wait_dma2 semaphore(%run_scoped3A : memref<!tpu.dma_semaphore, #tpu.memory_space<semaphore_mem>>) src(%dma_wait3A_16 : memref<632xf32, #tpu.memory_space<hbm>>) dst(%arg8 : memref<632xf32, #tpu.memory_space<vmem>>)
      tpu.yield
    }) : () -> ()
    %mul3A_3 = arith.constant 632 : i32
    %mul3A_4 = arith.muli %arg1, %mul3A_3 : i32
    "tpu.region"() ({
      %run_scoped3A = tpu.sem_alloc : memref<!tpu.dma_semaphore, #tpu.memory_space<semaphore_mem>>
      %dma_start3A = tpu.memref_slice %arg9[%mul3A_4] : memref<10112xf32, #tpu.memory_space<vmem_shared>> -> memref<632xf32, #tpu.memory_space<vmem_shared>>
      %dma_start3A_15 = tpu.memref_slice %arg9[%mul3A_4] : memref<10112xf32, #tpu.memory_space<vmem_shared>> -> memref<632xf32, #tpu.memory_space<vmem_shared>>
      tpu.enqueue_dma source(%arg8 : memref<632xf32, #tpu.memory_space<vmem>>) target(%dma_start3A_15 : memref<632xf32, #tpu.memory_space<vmem_shared>>) target_semaphore(%run_scoped3A : memref<!tpu.dma_semaphore, #tpu.memory_space<semaphore_mem>>)
      %dma_wait3A = tpu.memref_slice %arg9[%mul3A_4] : memref<10112xf32, #tpu.memory_space<vmem_shared>> -> memref<632xf32, #tpu.memory_space<vmem_shared>>
      %dma_wait3A_16 = tpu.memref_slice %arg9[%mul3A_4] : memref<10112xf32, #tpu.memory_space<vmem_shared>> -> memref<632xf32, #tpu.memory_space<vmem_shared>>
      tpu.wait_dma2 semaphore(%run_scoped3A : memref<!tpu.dma_semaphore, #tpu.memory_space<semaphore_mem>>) src(%arg8 : memref<632xf32, #tpu.memory_space<vmem>>) dst(%dma_wait3A_16 : memref<632xf32, #tpu.memory_space<vmem_shared>>)
      tpu.yield
    }) : () -> ()
    "tpu.region"() ({
      %run_scoped3A = tpu.sem_alloc : memref<!tpu.dma_semaphore, #tpu.memory_space<semaphore_mem>>
      tpu.enqueue_dma source(%arg3 : memref<128xf32, #tpu.memory_space<hbm>>) target(%arg7 : memref<128xf32, #tpu.memory_space<vmem>>) target_semaphore(%run_scoped3A : memref<!tpu.dma_semaphore, #tpu.memory_space<semaphore_mem>>)
      tpu.wait_dma2 semaphore(%run_scoped3A : memref<!tpu.dma_semaphore, #tpu.memory_space<semaphore_mem>>) src(%arg3 : memref<128xf32, #tpu.memory_space<hbm>>) dst(%arg7 : memref<128xf32, #tpu.memory_space<vmem>>)
      tpu.yield
    }) : () -> ()
    %mul3A_5 = arith.constant 80 : i32
    %mul3A_6 = arith.muli %add3A, %mul3A_5 : i32
    "tpu.region"() ({
      %run_scoped3A = tpu.sem_alloc : memref<!tpu.dma_semaphore, #tpu.memory_space<semaphore_mem>>
      %dma_start3A = arith.constant 0 : i32
      %dma_start3A_15 = tpu.memref_slice %arg2[%mul3A_6, %dma_start3A] : memref<2560x128xi32, #tpu.memory_space<hbm>> -> memref<80x128xi32, #tpu.memory_space<hbm>>
      %dma_start3A_16 = arith.constant 0 : i32
      %dma_start3A_17 = tpu.memref_slice %arg2[%mul3A_6, %dma_start3A_16] : memref<2560x128xi32, #tpu.memory_space<hbm>> -> memref<80x128xi32, #tpu.memory_space<hbm>>
      tpu.enqueue_dma source(%dma_start3A_17 : memref<80x128xi32, #tpu.memory_space<hbm>>) target(%arg6 : memref<80x128xi32, #tpu.memory_space<vmem>>) target_semaphore(%run_scoped3A : memref<!tpu.dma_semaphore, #tpu.memory_space<semaphore_mem>>)
      %dma_wait3A = arith.constant 0 : i32
      %dma_wait3A_18 = tpu.memref_slice %arg2[%mul3A_6, %dma_wait3A] : memref<2560x128xi32, #tpu.memory_space<hbm>> -> memref<80x128xi32, #tpu.memory_space<hbm>>
      %dma_wait3A_19 = arith.constant 0 : i32
      %dma_wait3A_20 = tpu.memref_slice %arg2[%mul3A_6, %dma_wait3A_19] : memref<2560x128xi32, #tpu.memory_space<hbm>> -> memref<80x128xi32, #tpu.memory_space<hbm>>
      tpu.wait_dma2 semaphore(%run_scoped3A : memref<!tpu.dma_semaphore, #tpu.memory_space<semaphore_mem>>) src(%dma_wait3A_20 : memref<80x128xi32, #tpu.memory_space<hbm>>) dst(%arg6 : memref<80x128xi32, #tpu.memory_space<vmem>>)
      tpu.yield
    }) : () -> ()
    %barrier3A = arith.constant 0 : index
    tpu.barrier barrier_id(%barrier3A)
    %scan3A = arith.constant 0 : i32
    %scan3A_7 = arith.constant 0 : i32
    %scan3A_8 = arith.constant 80 : i32
    %scan3A_9 = arith.addi %scan3A_7, %scan3A_8 : i32
    %scan3A_10 = arith.constant 1 : i32
    scf.for %scan3A_15 = %scan3A_7 to %scan3A_9 step %scan3A_10  : i32 {
      "tpu.region"() ({
        %run_scoped3A = tpu.sem_alloc : memref<!tpu.dma_semaphore, #tpu.memory_space<semaphore_mem>>
        %dma_start3A = arith.constant 0 : i32
        %dma_start3A_16 = tpu.memref_slice %arg6[%scan3A_15, %dma_start3A] : memref<80x128xi32, #tpu.memory_space<vmem>> -> memref<1x128xi32, #tpu.memory_space<vmem>>
        %dma_start3A_17 = tpu.memref_squeeze %dma_start3A_16 : memref<1x128xi32, #tpu.memory_space<vmem>> -> memref<128xi32, #tpu.memory_space<vmem>>
        %dma_start3A_18 = arith.constant 0 : i32
        %dma_start3A_19 = tpu.memref_slice %arg9[%dma_start3A_18] : memref<10112xf32, #tpu.memory_space<vmem_shared>> -> memref<10112xf32, #tpu.memory_space<vmem_shared>>
        tpu.enqueue_indirect_dma source(%arg7 : memref<128xf32, #tpu.memory_space<vmem>>) target(%dma_start3A_19 : memref<10112xf32, #tpu.memory_space<vmem_shared>>) offsets(%dma_start3A_17 : memref<128xi32, #tpu.memory_space<vmem>>) semaphore(%run_scoped3A : memref<!tpu.dma_semaphore, #tpu.memory_space<semaphore_mem>>) {add = true}
        %dma_wait3A = arith.constant 0 : i32
        %dma_wait3A_20 = tpu.memref_slice %arg6[%scan3A_15, %dma_wait3A] : memref<80x128xi32, #tpu.memory_space<vmem>> -> memref<1x128xi32, #tpu.memory_space<vmem>>
        %dma_wait3A_21 = tpu.memref_squeeze %dma_wait3A_20 : memref<1x128xi32, #tpu.memory_space<vmem>> -> memref<128xi32, #tpu.memory_space<vmem>>
        %dma_wait3A_22 = arith.constant 0 : i32
        %dma_wait3A_23 = tpu.memref_slice %arg9[%dma_wait3A_22] : memref<10112xf32, #tpu.memory_space<vmem_shared>> -> memref<10112xf32, #tpu.memory_space<vmem_shared>>
        tpu.wait_indirect_dma semaphore(%run_scoped3A : memref<!tpu.dma_semaphore, #tpu.memory_space<semaphore_mem>>) src(%arg7 : memref<128xf32, #tpu.memory_space<vmem>>) dst(%dma_wait3A_23 : memref<10112xf32, #tpu.memory_space<vmem_shared>>)
        tpu.yield
      }) : () -> ()
    }
    %scan3A_11 = arith.constant 80 : i32
    %barrier3A_12 = arith.constant 0 : index
    tpu.barrier barrier_id(%barrier3A_12)
    %mul3A_13 = arith.constant 632 : i32
    %mul3A_14 = arith.muli %arg1, %mul3A_13 : i32
    "tpu.region"() ({
      %run_scoped3A = tpu.sem_alloc : memref<!tpu.dma_semaphore, #tpu.memory_space<semaphore_mem>>
      %dma_start3A = tpu.memref_slice %arg9[%mul3A_14] : memref<10112xf32, #tpu.memory_space<vmem_shared>> -> memref<632xf32, #tpu.memory_space<vmem_shared>>
      %dma_start3A_15 = tpu.memref_slice %arg9[%mul3A_14] : memref<10112xf32, #tpu.memory_space<vmem_shared>> -> memref<632xf32, #tpu.memory_space<vmem_shared>>
      tpu.enqueue_dma source(%dma_start3A_15 : memref<632xf32, #tpu.memory_space<vmem_shared>>) target(%arg8 : memref<632xf32, #tpu.memory_space<vmem>>) target_semaphore(%run_scoped3A : memref<!tpu.dma_semaphore, #tpu.memory_space<semaphore_mem>>)
      %dma_wait3A = tpu.memref_slice %arg9[%mul3A_14] : memref<10112xf32, #tpu.memory_space<vmem_shared>> -> memref<632xf32, #tpu.memory_space<vmem_shared>>
      %dma_wait3A_16 = tpu.memref_slice %arg9[%mul3A_14] : memref<10112xf32, #tpu.memory_space<vmem_shared>> -> memref<632xf32, #tpu.memory_space<vmem_shared>>
      tpu.wait_dma2 semaphore(%run_scoped3A : memref<!tpu.dma_semaphore, #tpu.memory_space<semaphore_mem>>) src(%dma_wait3A_16 : memref<632xf32, #tpu.memory_space<vmem_shared>>) dst(%arg8 : memref<632xf32, #tpu.memory_space<vmem>>)
      tpu.yield
    }) : () -> ()
    "tpu.region"() ({
      %run_scoped3A = tpu.sem_alloc : memref<!tpu.dma_semaphore, #tpu.memory_space<semaphore_mem>>
      %dma_start3A = arith.constant 0 : i32
      %dma_start3A_15 = tpu.memref_slice %arg5[%arg0, %arg1, %dma_start3A] : memref<2x16x632xf32, #tpu.memory_space<hbm>> -> memref<1x1x632xf32, #tpu.memory_space<hbm>>
      %dma_start3A_16 = tpu.memref_squeeze %dma_start3A_15 : memref<1x1x632xf32, #tpu.memory_space<hbm>> -> memref<632xf32, #tpu.memory_space<hbm>>
      %dma_start3A_17 = arith.constant 0 : i32
      %dma_start3A_18 = tpu.memref_slice %arg5[%arg0, %arg1, %dma_start3A_17] : memref<2x16x632xf32, #tpu.memory_space<hbm>> -> memref<1x1x632xf32, #tpu.memory_space<hbm>>
      %dma_start3A_19 = tpu.memref_squeeze %dma_start3A_18 : memref<1x1x632xf32, #tpu.memory_space<hbm>> -> memref<632xf32, #tpu.memory_space<hbm>>
      tpu.enqueue_dma source(%arg8 : memref<632xf32, #tpu.memory_space<vmem>>) target(%dma_start3A_19 : memref<632xf32, #tpu.memory_space<hbm>>) target_semaphore(%run_scoped3A : memref<!tpu.dma_semaphore, #tpu.memory_space<semaphore_mem>>)
      %dma_wait3A = arith.constant 0 : i32
      %dma_wait3A_20 = tpu.memref_slice %arg5[%arg0, %arg1, %dma_wait3A] : memref<2x16x632xf32, #tpu.memory_space<hbm>> -> memref<1x1x632xf32, #tpu.memory_space<hbm>>
      %dma_wait3A_21 = tpu.memref_squeeze %dma_wait3A_20 : memref<1x1x632xf32, #tpu.memory_space<hbm>> -> memref<632xf32, #tpu.memory_space<hbm>>
      %dma_wait3A_22 = arith.constant 0 : i32
      %dma_wait3A_23 = tpu.memref_slice %arg5[%arg0, %arg1, %dma_wait3A_22] : memref<2x16x632xf32, #tpu.memory_space<hbm>> -> memref<1x1x632xf32, #tpu.memory_space<hbm>>
      %dma_wait3A_24 = tpu.memref_squeeze %dma_wait3A_23 : memref<1x1x632xf32, #tpu.memory_space<hbm>> -> memref<632xf32, #tpu.memory_space<hbm>>
      tpu.wait_dma2 semaphore(%run_scoped3A : memref<!tpu.dma_semaphore, #tpu.memory_space<semaphore_mem>>) src(%arg8 : memref<632xf32, #tpu.memory_space<vmem>>) dst(%dma_wait3A_24 : memref<632xf32, #tpu.memory_space<hbm>>)
      tpu.yield
    }) : () -> ()
    return
  }
}

#map = affine_map<(d0, d1) -> (0, 0)>
#map1 = affine_map<(d0, d1) -> (0, 0, 0, 0)>
module attributes {stable_mosaic.version = 14 : i64} {
  func.func @sc_gs64(%arg0: i32, %arg1: i32, %arg2: memref<10112x64xf32, #tpu.memory_space<hbm>>, %arg3: memref<2560x128xi32, #tpu.memory_space<hbm>>, %arg4: memref<2560x128xi32, #tpu.memory_space<hbm>>, %arg5: memref<10112x64xf32, #tpu.memory_space<hbm>>, %arg6: memref<2x16x632x64xf32, #tpu.memory_space<hbm>>, %arg7: memref<120x128xi32, #tpu.memory_space<vmem>>, %arg8: memref<120x128xi32, #tpu.memory_space<vmem>>, %arg9: memref<128x64xf32, #tpu.memory_space<vmem>>, %arg10: memref<128x64xf32, #tpu.memory_space<vmem>>, %arg11: memref<632x64xf32, #tpu.memory_space<vmem>>, %arg12: memref<10112x64xf32, #tpu.memory_space<vmem_shared>>, %arg13: memref<!tpu.dma_semaphore, #tpu.memory_space<semaphore_mem>>, %arg14: memref<!tpu.dma_semaphore, #tpu.memory_space<semaphore_mem>>) attributes {dimension_semantics = [#tpu.dimension_semantics<core_parallel>, #tpu.dimension_semantics<subcore_parallel>], iteration_bounds = array<i64: 2, 16>, scalar_prefetch = 0 : i64, scratch_operands = 8 : i64, tpu.core_type = #tpu.core_type<sc_vector_subcore>, window_params = [{transform_indices = #map}, {transform_indices = #map}, {transform_indices = #map}, {transform_indices = #map}, {transform_indices = #map1}]} {
    %mul3A = arith.constant 632 : i32
    %mul3A_0 = arith.muli %arg1, %mul3A : i32
    "tpu.region"() ({
      %run_scoped3A = tpu.sem_alloc : memref<!tpu.dma_semaphore, #tpu.memory_space<semaphore_mem>>
      %dma_start3A = arith.constant 0 : i32
      %dma_start3A_12 = tpu.memref_slice %arg5[%mul3A_0, %dma_start3A] : memref<10112x64xf32, #tpu.memory_space<hbm>> -> memref<632x64xf32, #tpu.memory_space<hbm>>
      %dma_start3A_13 = arith.constant 0 : i32
      %dma_start3A_14 = tpu.memref_slice %arg5[%mul3A_0, %dma_start3A_13] : memref<10112x64xf32, #tpu.memory_space<hbm>> -> memref<632x64xf32, #tpu.memory_space<hbm>>
      tpu.enqueue_dma source(%dma_start3A_14 : memref<632x64xf32, #tpu.memory_space<hbm>>) target(%arg11 : memref<632x64xf32, #tpu.memory_space<vmem>>) target_semaphore(%run_scoped3A : memref<!tpu.dma_semaphore, #tpu.memory_space<semaphore_mem>>)
      %dma_wait3A = arith.constant 0 : i32
      %dma_wait3A_15 = tpu.memref_slice %arg5[%mul3A_0, %dma_wait3A] : memref<10112x64xf32, #tpu.memory_space<hbm>> -> memref<632x64xf32, #tpu.memory_space<hbm>>
      %dma_wait3A_16 = arith.constant 0 : i32
      %dma_wait3A_17 = tpu.memref_slice %arg5[%mul3A_0, %dma_wait3A_16] : memref<10112x64xf32, #tpu.memory_space<hbm>> -> memref<632x64xf32, #tpu.memory_space<hbm>>
      tpu.wait_dma2 semaphore(%run_scoped3A : memref<!tpu.dma_semaphore, #tpu.memory_space<semaphore_mem>>) src(%dma_wait3A_17 : memref<632x64xf32, #tpu.memory_space<hbm>>) dst(%arg11 : memref<632x64xf32, #tpu.memory_space<vmem>>)
      tpu.yield
    }) : () -> ()
    %mul3A_1 = arith.constant 632 : i32
    %mul3A_2 = arith.muli %arg1, %mul3A_1 : i32
    "tpu.region"() ({
      %run_scoped3A = tpu.sem_alloc : memref<!tpu.dma_semaphore, #tpu.memory_space<semaphore_mem>>
      %dma_start3A = arith.constant 0 : i32
      %dma_start3A_12 = tpu.memref_slice %arg12[%mul3A_2, %dma_start3A] : memref<10112x64xf32, #tpu.memory_space<vmem_shared>> -> memref<632x64xf32, #tpu.memory_space<vmem_shared>>
      %dma_start3A_13 = arith.constant 0 : i32
      %dma_start3A_14 = tpu.memref_slice %arg12[%mul3A_2, %dma_start3A_13] : memref<10112x64xf32, #tpu.memory_space<vmem_shared>> -> memref<632x64xf32, #tpu.memory_space<vmem_shared>>
      tpu.enqueue_dma source(%arg11 : memref<632x64xf32, #tpu.memory_space<vmem>>) target(%dma_start3A_14 : memref<632x64xf32, #tpu.memory_space<vmem_shared>>) target_semaphore(%run_scoped3A : memref<!tpu.dma_semaphore, #tpu.memory_space<semaphore_mem>>)
      %dma_wait3A = arith.constant 0 : i32
      %dma_wait3A_15 = tpu.memref_slice %arg12[%mul3A_2, %dma_wait3A] : memref<10112x64xf32, #tpu.memory_space<vmem_shared>> -> memref<632x64xf32, #tpu.memory_space<vmem_shared>>
      %dma_wait3A_16 = arith.constant 0 : i32
      %dma_wait3A_17 = tpu.memref_slice %arg12[%mul3A_2, %dma_wait3A_16] : memref<10112x64xf32, #tpu.memory_space<vmem_shared>> -> memref<632x64xf32, #tpu.memory_space<vmem_shared>>
      tpu.wait_dma2 semaphore(%run_scoped3A : memref<!tpu.dma_semaphore, #tpu.memory_space<semaphore_mem>>) src(%arg11 : memref<632x64xf32, #tpu.memory_space<vmem>>) dst(%dma_wait3A_17 : memref<632x64xf32, #tpu.memory_space<vmem_shared>>)
      tpu.yield
    }) : () -> ()
    %eq3A = arith.constant 0 : i32
    %eq3A_3 = arith.cmpi eq, %arg0, %eq3A : i32
    %convert_element_type3A = arith.extui %eq3A_3 : i1 to i32
    %cond3A = arith.constant 0 : i32
    %cond3A_4 = arith.cmpi ne, %convert_element_type3A, %cond3A : i32
    scf.if %cond3A_4 {
      %mul3A_12 = arith.constant 160 : i32
      %mul3A_13 = arith.muli %arg1, %mul3A_12 : i32
      "tpu.region"() ({
        %run_scoped3A = tpu.sem_alloc : memref<!tpu.dma_semaphore, #tpu.memory_space<semaphore_mem>>
        %dma_start3A_32 = arith.constant 0 : i32
        %dma_start3A_33 = arith.constant 0 : i32
        %dma_start3A_34 = tpu.memref_slice %arg7[%dma_start3A_32, %dma_start3A_33] : memref<120x128xi32, #tpu.memory_space<vmem>> -> memref<120x128xi32, #tpu.memory_space<vmem>>
        %dma_start3A_35 = arith.constant 0 : i32
        %dma_start3A_36 = tpu.memref_slice %arg3[%mul3A_13, %dma_start3A_35] : memref<2560x128xi32, #tpu.memory_space<hbm>> -> memref<120x128xi32, #tpu.memory_space<hbm>>
        %dma_start3A_37 = arith.constant 0 : i32
        %dma_start3A_38 = arith.constant 0 : i32
        %dma_start3A_39 = tpu.memref_slice %arg7[%dma_start3A_37, %dma_start3A_38] : memref<120x128xi32, #tpu.memory_space<vmem>> -> memref<120x128xi32, #tpu.memory_space<vmem>>
        %dma_start3A_40 = arith.constant 0 : i32
        %dma_start3A_41 = tpu.memref_slice %arg3[%mul3A_13, %dma_start3A_40] : memref<2560x128xi32, #tpu.memory_space<hbm>> -> memref<120x128xi32, #tpu.memory_space<hbm>>
        tpu.enqueue_dma source(%dma_start3A_41 : memref<120x128xi32, #tpu.memory_space<hbm>>) target(%dma_start3A_39 : memref<120x128xi32, #tpu.memory_space<vmem>>) target_semaphore(%run_scoped3A : memref<!tpu.dma_semaphore, #tpu.memory_space<semaphore_mem>>)
        %dma_wait3A = arith.constant 0 : i32
        %dma_wait3A_42 = arith.constant 0 : i32
        %dma_wait3A_43 = tpu.memref_slice %arg7[%dma_wait3A, %dma_wait3A_42] : memref<120x128xi32, #tpu.memory_space<vmem>> -> memref<120x128xi32, #tpu.memory_space<vmem>>
        %dma_wait3A_44 = arith.constant 0 : i32
        %dma_wait3A_45 = tpu.memref_slice %arg3[%mul3A_13, %dma_wait3A_44] : memref<2560x128xi32, #tpu.memory_space<hbm>> -> memref<120x128xi32, #tpu.memory_space<hbm>>
        %dma_wait3A_46 = arith.constant 0 : i32
        %dma_wait3A_47 = arith.constant 0 : i32
        %dma_wait3A_48 = tpu.memref_slice %arg7[%dma_wait3A_46, %dma_wait3A_47] : memref<120x128xi32, #tpu.memory_space<vmem>> -> memref<120x128xi32, #tpu.memory_space<vmem>>
        %dma_wait3A_49 = arith.constant 0 : i32
        %dma_wait3A_50 = tpu.memref_slice %arg3[%mul3A_13, %dma_wait3A_49] : memref<2560x128xi32, #tpu.memory_space<hbm>> -> memref<120x128xi32, #tpu.memory_space<hbm>>
        tpu.wait_dma2 semaphore(%run_scoped3A : memref<!tpu.dma_semaphore, #tpu.memory_space<semaphore_mem>>) src(%dma_wait3A_50 : memref<120x128xi32, #tpu.memory_space<hbm>>) dst(%dma_wait3A_48 : memref<120x128xi32, #tpu.memory_space<vmem>>)
        tpu.yield
      }) : () -> ()
      "tpu.region"() ({
        %run_scoped3A = tpu.sem_alloc : memref<!tpu.dma_semaphore, #tpu.memory_space<semaphore_mem>>
        %dma_start3A_32 = arith.constant 0 : i32
        %dma_start3A_33 = arith.constant 0 : i32
        %dma_start3A_34 = tpu.memref_slice %arg8[%dma_start3A_32, %dma_start3A_33] : memref<120x128xi32, #tpu.memory_space<vmem>> -> memref<120x128xi32, #tpu.memory_space<vmem>>
        %dma_start3A_35 = arith.constant 0 : i32
        %dma_start3A_36 = tpu.memref_slice %arg4[%mul3A_13, %dma_start3A_35] : memref<2560x128xi32, #tpu.memory_space<hbm>> -> memref<120x128xi32, #tpu.memory_space<hbm>>
        %dma_start3A_37 = arith.constant 0 : i32
        %dma_start3A_38 = arith.constant 0 : i32
        %dma_start3A_39 = tpu.memref_slice %arg8[%dma_start3A_37, %dma_start3A_38] : memref<120x128xi32, #tpu.memory_space<vmem>> -> memref<120x128xi32, #tpu.memory_space<vmem>>
        %dma_start3A_40 = arith.constant 0 : i32
        %dma_start3A_41 = tpu.memref_slice %arg4[%mul3A_13, %dma_start3A_40] : memref<2560x128xi32, #tpu.memory_space<hbm>> -> memref<120x128xi32, #tpu.memory_space<hbm>>
        tpu.enqueue_dma source(%dma_start3A_41 : memref<120x128xi32, #tpu.memory_space<hbm>>) target(%dma_start3A_39 : memref<120x128xi32, #tpu.memory_space<vmem>>) target_semaphore(%run_scoped3A : memref<!tpu.dma_semaphore, #tpu.memory_space<semaphore_mem>>)
        %dma_wait3A = arith.constant 0 : i32
        %dma_wait3A_42 = arith.constant 0 : i32
        %dma_wait3A_43 = tpu.memref_slice %arg8[%dma_wait3A, %dma_wait3A_42] : memref<120x128xi32, #tpu.memory_space<vmem>> -> memref<120x128xi32, #tpu.memory_space<vmem>>
        %dma_wait3A_44 = arith.constant 0 : i32
        %dma_wait3A_45 = tpu.memref_slice %arg4[%mul3A_13, %dma_wait3A_44] : memref<2560x128xi32, #tpu.memory_space<hbm>> -> memref<120x128xi32, #tpu.memory_space<hbm>>
        %dma_wait3A_46 = arith.constant 0 : i32
        %dma_wait3A_47 = arith.constant 0 : i32
        %dma_wait3A_48 = tpu.memref_slice %arg8[%dma_wait3A_46, %dma_wait3A_47] : memref<120x128xi32, #tpu.memory_space<vmem>> -> memref<120x128xi32, #tpu.memory_space<vmem>>
        %dma_wait3A_49 = arith.constant 0 : i32
        %dma_wait3A_50 = tpu.memref_slice %arg4[%mul3A_13, %dma_wait3A_49] : memref<2560x128xi32, #tpu.memory_space<hbm>> -> memref<120x128xi32, #tpu.memory_space<hbm>>
        tpu.wait_dma2 semaphore(%run_scoped3A : memref<!tpu.dma_semaphore, #tpu.memory_space<semaphore_mem>>) src(%dma_wait3A_50 : memref<120x128xi32, #tpu.memory_space<hbm>>) dst(%dma_wait3A_48 : memref<120x128xi32, #tpu.memory_space<vmem>>)
        tpu.yield
      }) : () -> ()
      %dma_start3A = arith.constant 0 : i32
      %dma_start3A_14 = arith.constant 0 : i32
      %dma_start3A_15 = tpu.memref_slice %arg7[%dma_start3A, %dma_start3A_14] : memref<120x128xi32, #tpu.memory_space<vmem>> -> memref<1x128xi32, #tpu.memory_space<vmem>>
      %dma_start3A_16 = tpu.memref_squeeze %dma_start3A_15 : memref<1x128xi32, #tpu.memory_space<vmem>> -> memref<128xi32, #tpu.memory_space<vmem>>
      %dma_start3A_17 = arith.constant 0 : i32
      %dma_start3A_18 = arith.constant 0 : i32
      %dma_start3A_19 = tpu.memref_slice %arg2[%dma_start3A_17, %dma_start3A_18] : memref<10112x64xf32, #tpu.memory_space<hbm>> -> memref<10112x64xf32, #tpu.memory_space<hbm>>
      tpu.enqueue_indirect_dma source(%dma_start3A_19 : memref<10112x64xf32, #tpu.memory_space<hbm>>) target(%arg9 : memref<128x64xf32, #tpu.memory_space<vmem>>) offsets(%dma_start3A_16 : memref<128xi32, #tpu.memory_space<vmem>>) semaphore(%arg13 : memref<!tpu.dma_semaphore, #tpu.memory_space<semaphore_mem>>)
      %dma_start3A_20 = arith.constant 1 : i32
      %dma_start3A_21 = arith.constant 0 : i32
      %dma_start3A_22 = tpu.memref_slice %arg7[%dma_start3A_20, %dma_start3A_21] : memref<120x128xi32, #tpu.memory_space<vmem>> -> memref<1x128xi32, #tpu.memory_space<vmem>>
      %dma_start3A_23 = tpu.memref_squeeze %dma_start3A_22 : memref<1x128xi32, #tpu.memory_space<vmem>> -> memref<128xi32, #tpu.memory_space<vmem>>
      %dma_start3A_24 = arith.constant 0 : i32
      %dma_start3A_25 = arith.constant 0 : i32
      %dma_start3A_26 = tpu.memref_slice %arg2[%dma_start3A_24, %dma_start3A_25] : memref<10112x64xf32, #tpu.memory_space<hbm>> -> memref<10112x64xf32, #tpu.memory_space<hbm>>
      tpu.enqueue_indirect_dma source(%dma_start3A_26 : memref<10112x64xf32, #tpu.memory_space<hbm>>) target(%arg10 : memref<128x64xf32, #tpu.memory_space<vmem>>) offsets(%dma_start3A_23 : memref<128xi32, #tpu.memory_space<vmem>>) semaphore(%arg14 : memref<!tpu.dma_semaphore, #tpu.memory_space<semaphore_mem>>)
      %scan3A = arith.constant 0 : i32
      %scan3A_27 = arith.constant 0 : i32
      %scan3A_28 = arith.constant 60 : i32
      %scan3A_29 = arith.addi %scan3A_27, %scan3A_28 : i32
      %scan3A_30 = arith.constant 1 : i32
      scf.for %scan3A_32 = %scan3A_27 to %scan3A_29 step %scan3A_30  : i32 {
        %mul3A_33 = arith.constant 2 : i32
        %mul3A_34 = arith.muli %mul3A_33, %scan3A_32 : i32
        %dma_wait3A = arith.constant 0 : i32
        %dma_wait3A_35 = tpu.memref_slice %arg7[%mul3A_34, %dma_wait3A] : memref<120x128xi32, #tpu.memory_space<vmem>> -> memref<1x128xi32, #tpu.memory_space<vmem>>
        %dma_wait3A_36 = tpu.memref_squeeze %dma_wait3A_35 : memref<1x128xi32, #tpu.memory_space<vmem>> -> memref<128xi32, #tpu.memory_space<vmem>>
        %dma_wait3A_37 = arith.constant 0 : i32
        %dma_wait3A_38 = arith.constant 0 : i32
        %dma_wait3A_39 = tpu.memref_slice %arg2[%dma_wait3A_37, %dma_wait3A_38] : memref<10112x64xf32, #tpu.memory_space<hbm>> -> memref<10112x64xf32, #tpu.memory_space<hbm>>
        tpu.wait_indirect_dma semaphore(%arg13 : memref<!tpu.dma_semaphore, #tpu.memory_space<semaphore_mem>>) src(%dma_wait3A_39 : memref<10112x64xf32, #tpu.memory_space<hbm>>) dst(%arg9 : memref<128x64xf32, #tpu.memory_space<vmem>>)
        "tpu.region"() ({
          %run_scoped3A = tpu.sem_alloc : memref<!tpu.dma_semaphore, #tpu.memory_space<semaphore_mem>>
          %dma_start3A_56 = arith.constant 0 : i32
          %dma_start3A_57 = tpu.memref_slice %arg8[%mul3A_34, %dma_start3A_56] : memref<120x128xi32, #tpu.memory_space<vmem>> -> memref<1x128xi32, #tpu.memory_space<vmem>>
          %dma_start3A_58 = tpu.memref_squeeze %dma_start3A_57 : memref<1x128xi32, #tpu.memory_space<vmem>> -> memref<128xi32, #tpu.memory_space<vmem>>
          %dma_start3A_59 = arith.constant 0 : i32
          %dma_start3A_60 = arith.constant 0 : i32
          %dma_start3A_61 = tpu.memref_slice %arg12[%dma_start3A_59, %dma_start3A_60] : memref<10112x64xf32, #tpu.memory_space<vmem_shared>> -> memref<10112x64xf32, #tpu.memory_space<vmem_shared>>
          tpu.enqueue_indirect_dma source(%arg9 : memref<128x64xf32, #tpu.memory_space<vmem>>) target(%dma_start3A_61 : memref<10112x64xf32, #tpu.memory_space<vmem_shared>>) offsets(%dma_start3A_58 : memref<128xi32, #tpu.memory_space<vmem>>) semaphore(%run_scoped3A : memref<!tpu.dma_semaphore, #tpu.memory_space<semaphore_mem>>) {add = true}
          %dma_wait3A_62 = arith.constant 0 : i32
          %dma_wait3A_63 = tpu.memref_slice %arg8[%mul3A_34, %dma_wait3A_62] : memref<120x128xi32, #tpu.memory_space<vmem>> -> memref<1x128xi32, #tpu.memory_space<vmem>>
          %dma_wait3A_64 = tpu.memref_squeeze %dma_wait3A_63 : memref<1x128xi32, #tpu.memory_space<vmem>> -> memref<128xi32, #tpu.memory_space<vmem>>
          %dma_wait3A_65 = arith.constant 0 : i32
          %dma_wait3A_66 = arith.constant 0 : i32
          %dma_wait3A_67 = tpu.memref_slice %arg12[%dma_wait3A_65, %dma_wait3A_66] : memref<10112x64xf32, #tpu.memory_space<vmem_shared>> -> memref<10112x64xf32, #tpu.memory_space<vmem_shared>>
          tpu.wait_indirect_dma semaphore(%run_scoped3A : memref<!tpu.dma_semaphore, #tpu.memory_space<semaphore_mem>>) src(%arg9 : memref<128x64xf32, #tpu.memory_space<vmem>>) dst(%dma_wait3A_67 : memref<10112x64xf32, #tpu.memory_space<vmem_shared>>)
          tpu.yield
        }) : () -> ()
        %lt3A = arith.constant 59 : i32
        %lt3A_40 = arith.cmpi slt, %scan3A_32, %lt3A : i32
        %convert_element_type3A_41 = arith.extui %lt3A_40 : i1 to i32
        %cond3A_42 = arith.constant 0 : i32
        %cond3A_43 = arith.cmpi ne, %convert_element_type3A_41, %cond3A_42 : i32
        scf.if %cond3A_43 {
          %add3A_56 = arith.constant 2 : i32
          %add3A_57 = arith.addi %mul3A_34, %add3A_56 : i32
          %dma_start3A_58 = arith.constant 0 : i32
          %dma_start3A_59 = tpu.memref_slice %arg7[%add3A_57, %dma_start3A_58] : memref<120x128xi32, #tpu.memory_space<vmem>> -> memref<1x128xi32, #tpu.memory_space<vmem>>
          %dma_start3A_60 = tpu.memref_squeeze %dma_start3A_59 : memref<1x128xi32, #tpu.memory_space<vmem>> -> memref<128xi32, #tpu.memory_space<vmem>>
          %dma_start3A_61 = arith.constant 0 : i32
          %dma_start3A_62 = arith.constant 0 : i32
          %dma_start3A_63 = tpu.memref_slice %arg2[%dma_start3A_61, %dma_start3A_62] : memref<10112x64xf32, #tpu.memory_space<hbm>> -> memref<10112x64xf32, #tpu.memory_space<hbm>>
          tpu.enqueue_indirect_dma source(%dma_start3A_63 : memref<10112x64xf32, #tpu.memory_space<hbm>>) target(%arg9 : memref<128x64xf32, #tpu.memory_space<vmem>>) offsets(%dma_start3A_60 : memref<128xi32, #tpu.memory_space<vmem>>) semaphore(%arg13 : memref<!tpu.dma_semaphore, #tpu.memory_space<semaphore_mem>>)
        } else {
        }
        %add3A = arith.constant 1 : i32
        %add3A_44 = arith.addi %mul3A_34, %add3A : i32
        %dma_wait3A_45 = arith.constant 0 : i32
        %dma_wait3A_46 = tpu.memref_slice %arg7[%add3A_44, %dma_wait3A_45] : memref<120x128xi32, #tpu.memory_space<vmem>> -> memref<1x128xi32, #tpu.memory_space<vmem>>
        %dma_wait3A_47 = tpu.memref_squeeze %dma_wait3A_46 : memref<1x128xi32, #tpu.memory_space<vmem>> -> memref<128xi32, #tpu.memory_space<vmem>>
        %dma_wait3A_48 = arith.constant 0 : i32
        %dma_wait3A_49 = arith.constant 0 : i32
        %dma_wait3A_50 = tpu.memref_slice %arg2[%dma_wait3A_48, %dma_wait3A_49] : memref<10112x64xf32, #tpu.memory_space<hbm>> -> memref<10112x64xf32, #tpu.memory_space<hbm>>
        tpu.wait_indirect_dma semaphore(%arg14 : memref<!tpu.dma_semaphore, #tpu.memory_space<semaphore_mem>>) src(%dma_wait3A_50 : memref<10112x64xf32, #tpu.memory_space<hbm>>) dst(%arg10 : memref<128x64xf32, #tpu.memory_space<vmem>>)
        "tpu.region"() ({
          %run_scoped3A = tpu.sem_alloc : memref<!tpu.dma_semaphore, #tpu.memory_space<semaphore_mem>>
          %dma_start3A_56 = arith.constant 0 : i32
          %dma_start3A_57 = tpu.memref_slice %arg8[%add3A_44, %dma_start3A_56] : memref<120x128xi32, #tpu.memory_space<vmem>> -> memref<1x128xi32, #tpu.memory_space<vmem>>
          %dma_start3A_58 = tpu.memref_squeeze %dma_start3A_57 : memref<1x128xi32, #tpu.memory_space<vmem>> -> memref<128xi32, #tpu.memory_space<vmem>>
          %dma_start3A_59 = arith.constant 0 : i32
          %dma_start3A_60 = arith.constant 0 : i32
          %dma_start3A_61 = tpu.memref_slice %arg12[%dma_start3A_59, %dma_start3A_60] : memref<10112x64xf32, #tpu.memory_space<vmem_shared>> -> memref<10112x64xf32, #tpu.memory_space<vmem_shared>>
          tpu.enqueue_indirect_dma source(%arg10 : memref<128x64xf32, #tpu.memory_space<vmem>>) target(%dma_start3A_61 : memref<10112x64xf32, #tpu.memory_space<vmem_shared>>) offsets(%dma_start3A_58 : memref<128xi32, #tpu.memory_space<vmem>>) semaphore(%run_scoped3A : memref<!tpu.dma_semaphore, #tpu.memory_space<semaphore_mem>>) {add = true}
          %dma_wait3A_62 = arith.constant 0 : i32
          %dma_wait3A_63 = tpu.memref_slice %arg8[%add3A_44, %dma_wait3A_62] : memref<120x128xi32, #tpu.memory_space<vmem>> -> memref<1x128xi32, #tpu.memory_space<vmem>>
          %dma_wait3A_64 = tpu.memref_squeeze %dma_wait3A_63 : memref<1x128xi32, #tpu.memory_space<vmem>> -> memref<128xi32, #tpu.memory_space<vmem>>
          %dma_wait3A_65 = arith.constant 0 : i32
          %dma_wait3A_66 = arith.constant 0 : i32
          %dma_wait3A_67 = tpu.memref_slice %arg12[%dma_wait3A_65, %dma_wait3A_66] : memref<10112x64xf32, #tpu.memory_space<vmem_shared>> -> memref<10112x64xf32, #tpu.memory_space<vmem_shared>>
          tpu.wait_indirect_dma semaphore(%run_scoped3A : memref<!tpu.dma_semaphore, #tpu.memory_space<semaphore_mem>>) src(%arg10 : memref<128x64xf32, #tpu.memory_space<vmem>>) dst(%dma_wait3A_67 : memref<10112x64xf32, #tpu.memory_space<vmem_shared>>)
          tpu.yield
        }) : () -> ()
        %lt3A_51 = arith.constant 59 : i32
        %lt3A_52 = arith.cmpi slt, %scan3A_32, %lt3A_51 : i32
        %convert_element_type3A_53 = arith.extui %lt3A_52 : i1 to i32
        %cond3A_54 = arith.constant 0 : i32
        %cond3A_55 = arith.cmpi ne, %convert_element_type3A_53, %cond3A_54 : i32
        scf.if %cond3A_55 {
          %add3A_56 = arith.constant 2 : i32
          %add3A_57 = arith.addi %add3A_44, %add3A_56 : i32
          %dma_start3A_58 = arith.constant 0 : i32
          %dma_start3A_59 = tpu.memref_slice %arg7[%add3A_57, %dma_start3A_58] : memref<120x128xi32, #tpu.memory_space<vmem>> -> memref<1x128xi32, #tpu.memory_space<vmem>>
          %dma_start3A_60 = tpu.memref_squeeze %dma_start3A_59 : memref<1x128xi32, #tpu.memory_space<vmem>> -> memref<128xi32, #tpu.memory_space<vmem>>
          %dma_start3A_61 = arith.constant 0 : i32
          %dma_start3A_62 = arith.constant 0 : i32
          %dma_start3A_63 = tpu.memref_slice %arg2[%dma_start3A_61, %dma_start3A_62] : memref<10112x64xf32, #tpu.memory_space<hbm>> -> memref<10112x64xf32, #tpu.memory_space<hbm>>
          tpu.enqueue_indirect_dma source(%dma_start3A_63 : memref<10112x64xf32, #tpu.memory_space<hbm>>) target(%arg10 : memref<128x64xf32, #tpu.memory_space<vmem>>) offsets(%dma_start3A_60 : memref<128xi32, #tpu.memory_space<vmem>>) semaphore(%arg14 : memref<!tpu.dma_semaphore, #tpu.memory_space<semaphore_mem>>)
        } else {
        }
      }
      %scan3A_31 = arith.constant 60 : i32
    } else {
    }
    %eq3A_5 = arith.constant 1 : i32
    %eq3A_6 = arith.cmpi eq, %arg0, %eq3A_5 : i32
    %convert_element_type3A_7 = arith.extui %eq3A_6 : i1 to i32
    %cond3A_8 = arith.constant 0 : i32
    %cond3A_9 = arith.cmpi ne, %convert_element_type3A_7, %cond3A_8 : i32
    scf.if %cond3A_9 {
      %mul3A_12 = arith.constant 160 : i32
      %mul3A_13 = arith.muli %arg1, %mul3A_12 : i32
      %add3A = arith.constant 120 : i32
      %add3A_14 = arith.addi %mul3A_13, %add3A : i32
      "tpu.region"() ({
        %run_scoped3A = tpu.sem_alloc : memref<!tpu.dma_semaphore, #tpu.memory_space<semaphore_mem>>
        %dma_start3A_33 = arith.constant 0 : i32
        %dma_start3A_34 = arith.constant 0 : i32
        %dma_start3A_35 = tpu.memref_slice %arg7[%dma_start3A_33, %dma_start3A_34] : memref<120x128xi32, #tpu.memory_space<vmem>> -> memref<40x128xi32, #tpu.memory_space<vmem>>
        %dma_start3A_36 = arith.constant 0 : i32
        %dma_start3A_37 = tpu.memref_slice %arg3[%add3A_14, %dma_start3A_36] : memref<2560x128xi32, #tpu.memory_space<hbm>> -> memref<40x128xi32, #tpu.memory_space<hbm>>
        %dma_start3A_38 = arith.constant 0 : i32
        %dma_start3A_39 = arith.constant 0 : i32
        %dma_start3A_40 = tpu.memref_slice %arg7[%dma_start3A_38, %dma_start3A_39] : memref<120x128xi32, #tpu.memory_space<vmem>> -> memref<40x128xi32, #tpu.memory_space<vmem>>
        %dma_start3A_41 = arith.constant 0 : i32
        %dma_start3A_42 = tpu.memref_slice %arg3[%add3A_14, %dma_start3A_41] : memref<2560x128xi32, #tpu.memory_space<hbm>> -> memref<40x128xi32, #tpu.memory_space<hbm>>
        tpu.enqueue_dma source(%dma_start3A_42 : memref<40x128xi32, #tpu.memory_space<hbm>>) target(%dma_start3A_40 : memref<40x128xi32, #tpu.memory_space<vmem>>) target_semaphore(%run_scoped3A : memref<!tpu.dma_semaphore, #tpu.memory_space<semaphore_mem>>)
        %dma_wait3A = arith.constant 0 : i32
        %dma_wait3A_43 = arith.constant 0 : i32
        %dma_wait3A_44 = tpu.memref_slice %arg7[%dma_wait3A, %dma_wait3A_43] : memref<120x128xi32, #tpu.memory_space<vmem>> -> memref<40x128xi32, #tpu.memory_space<vmem>>
        %dma_wait3A_45 = arith.constant 0 : i32
        %dma_wait3A_46 = tpu.memref_slice %arg3[%add3A_14, %dma_wait3A_45] : memref<2560x128xi32, #tpu.memory_space<hbm>> -> memref<40x128xi32, #tpu.memory_space<hbm>>
        %dma_wait3A_47 = arith.constant 0 : i32
        %dma_wait3A_48 = arith.constant 0 : i32
        %dma_wait3A_49 = tpu.memref_slice %arg7[%dma_wait3A_47, %dma_wait3A_48] : memref<120x128xi32, #tpu.memory_space<vmem>> -> memref<40x128xi32, #tpu.memory_space<vmem>>
        %dma_wait3A_50 = arith.constant 0 : i32
        %dma_wait3A_51 = tpu.memref_slice %arg3[%add3A_14, %dma_wait3A_50] : memref<2560x128xi32, #tpu.memory_space<hbm>> -> memref<40x128xi32, #tpu.memory_space<hbm>>
        tpu.wait_dma2 semaphore(%run_scoped3A : memref<!tpu.dma_semaphore, #tpu.memory_space<semaphore_mem>>) src(%dma_wait3A_51 : memref<40x128xi32, #tpu.memory_space<hbm>>) dst(%dma_wait3A_49 : memref<40x128xi32, #tpu.memory_space<vmem>>)
        tpu.yield
      }) : () -> ()
      "tpu.region"() ({
        %run_scoped3A = tpu.sem_alloc : memref<!tpu.dma_semaphore, #tpu.memory_space<semaphore_mem>>
        %dma_start3A_33 = arith.constant 0 : i32
        %dma_start3A_34 = arith.constant 0 : i32
        %dma_start3A_35 = tpu.memref_slice %arg8[%dma_start3A_33, %dma_start3A_34] : memref<120x128xi32, #tpu.memory_space<vmem>> -> memref<40x128xi32, #tpu.memory_space<vmem>>
        %dma_start3A_36 = arith.constant 0 : i32
        %dma_start3A_37 = tpu.memref_slice %arg4[%add3A_14, %dma_start3A_36] : memref<2560x128xi32, #tpu.memory_space<hbm>> -> memref<40x128xi32, #tpu.memory_space<hbm>>
        %dma_start3A_38 = arith.constant 0 : i32
        %dma_start3A_39 = arith.constant 0 : i32
        %dma_start3A_40 = tpu.memref_slice %arg8[%dma_start3A_38, %dma_start3A_39] : memref<120x128xi32, #tpu.memory_space<vmem>> -> memref<40x128xi32, #tpu.memory_space<vmem>>
        %dma_start3A_41 = arith.constant 0 : i32
        %dma_start3A_42 = tpu.memref_slice %arg4[%add3A_14, %dma_start3A_41] : memref<2560x128xi32, #tpu.memory_space<hbm>> -> memref<40x128xi32, #tpu.memory_space<hbm>>
        tpu.enqueue_dma source(%dma_start3A_42 : memref<40x128xi32, #tpu.memory_space<hbm>>) target(%dma_start3A_40 : memref<40x128xi32, #tpu.memory_space<vmem>>) target_semaphore(%run_scoped3A : memref<!tpu.dma_semaphore, #tpu.memory_space<semaphore_mem>>)
        %dma_wait3A = arith.constant 0 : i32
        %dma_wait3A_43 = arith.constant 0 : i32
        %dma_wait3A_44 = tpu.memref_slice %arg8[%dma_wait3A, %dma_wait3A_43] : memref<120x128xi32, #tpu.memory_space<vmem>> -> memref<40x128xi32, #tpu.memory_space<vmem>>
        %dma_wait3A_45 = arith.constant 0 : i32
        %dma_wait3A_46 = tpu.memref_slice %arg4[%add3A_14, %dma_wait3A_45] : memref<2560x128xi32, #tpu.memory_space<hbm>> -> memref<40x128xi32, #tpu.memory_space<hbm>>
        %dma_wait3A_47 = arith.constant 0 : i32
        %dma_wait3A_48 = arith.constant 0 : i32
        %dma_wait3A_49 = tpu.memref_slice %arg8[%dma_wait3A_47, %dma_wait3A_48] : memref<120x128xi32, #tpu.memory_space<vmem>> -> memref<40x128xi32, #tpu.memory_space<vmem>>
        %dma_wait3A_50 = arith.constant 0 : i32
        %dma_wait3A_51 = tpu.memref_slice %arg4[%add3A_14, %dma_wait3A_50] : memref<2560x128xi32, #tpu.memory_space<hbm>> -> memref<40x128xi32, #tpu.memory_space<hbm>>
        tpu.wait_dma2 semaphore(%run_scoped3A : memref<!tpu.dma_semaphore, #tpu.memory_space<semaphore_mem>>) src(%dma_wait3A_51 : memref<40x128xi32, #tpu.memory_space<hbm>>) dst(%dma_wait3A_49 : memref<40x128xi32, #tpu.memory_space<vmem>>)
        tpu.yield
      }) : () -> ()
      %dma_start3A = arith.constant 0 : i32
      %dma_start3A_15 = arith.constant 0 : i32
      %dma_start3A_16 = tpu.memref_slice %arg7[%dma_start3A, %dma_start3A_15] : memref<120x128xi32, #tpu.memory_space<vmem>> -> memref<1x128xi32, #tpu.memory_space<vmem>>
      %dma_start3A_17 = tpu.memref_squeeze %dma_start3A_16 : memref<1x128xi32, #tpu.memory_space<vmem>> -> memref<128xi32, #tpu.memory_space<vmem>>
      %dma_start3A_18 = arith.constant 0 : i32
      %dma_start3A_19 = arith.constant 0 : i32
      %dma_start3A_20 = tpu.memref_slice %arg2[%dma_start3A_18, %dma_start3A_19] : memref<10112x64xf32, #tpu.memory_space<hbm>> -> memref<10112x64xf32, #tpu.memory_space<hbm>>
      tpu.enqueue_indirect_dma source(%dma_start3A_20 : memref<10112x64xf32, #tpu.memory_space<hbm>>) target(%arg9 : memref<128x64xf32, #tpu.memory_space<vmem>>) offsets(%dma_start3A_17 : memref<128xi32, #tpu.memory_space<vmem>>) semaphore(%arg13 : memref<!tpu.dma_semaphore, #tpu.memory_space<semaphore_mem>>)
      %dma_start3A_21 = arith.constant 1 : i32
      %dma_start3A_22 = arith.constant 0 : i32
      %dma_start3A_23 = tpu.memref_slice %arg7[%dma_start3A_21, %dma_start3A_22] : memref<120x128xi32, #tpu.memory_space<vmem>> -> memref<1x128xi32, #tpu.memory_space<vmem>>
      %dma_start3A_24 = tpu.memref_squeeze %dma_start3A_23 : memref<1x128xi32, #tpu.memory_space<vmem>> -> memref<128xi32, #tpu.memory_space<vmem>>
      %dma_start3A_25 = arith.constant 0 : i32
      %dma_start3A_26 = arith.constant 0 : i32
      %dma_start3A_27 = tpu.memref_slice %arg2[%dma_start3A_25, %dma_start3A_26] : memref<10112x64xf32, #tpu.memory_space<hbm>> -> memref<10112x64xf32, #tpu.memory_space<hbm>>
      tpu.enqueue_indirect_dma source(%dma_start3A_27 : memref<10112x64xf32, #tpu.memory_space<hbm>>) target(%arg10 : memref<128x64xf32, #tpu.memory_space<vmem>>) offsets(%dma_start3A_24 : memref<128xi32, #tpu.memory_space<vmem>>) semaphore(%arg14 : memref<!tpu.dma_semaphore, #tpu.memory_space<semaphore_mem>>)
      %scan3A = arith.constant 0 : i32
      %scan3A_28 = arith.constant 0 : i32
      %scan3A_29 = arith.constant 20 : i32
      %scan3A_30 = arith.addi %scan3A_28, %scan3A_29 : i32
      %scan3A_31 = arith.constant 1 : i32
      scf.for %scan3A_33 = %scan3A_28 to %scan3A_30 step %scan3A_31  : i32 {
        %mul3A_34 = arith.constant 2 : i32
        %mul3A_35 = arith.muli %mul3A_34, %scan3A_33 : i32
        %dma_wait3A = arith.constant 0 : i32
        %dma_wait3A_36 = tpu.memref_slice %arg7[%mul3A_35, %dma_wait3A] : memref<120x128xi32, #tpu.memory_space<vmem>> -> memref<1x128xi32, #tpu.memory_space<vmem>>
        %dma_wait3A_37 = tpu.memref_squeeze %dma_wait3A_36 : memref<1x128xi32, #tpu.memory_space<vmem>> -> memref<128xi32, #tpu.memory_space<vmem>>
        %dma_wait3A_38 = arith.constant 0 : i32
        %dma_wait3A_39 = arith.constant 0 : i32
        %dma_wait3A_40 = tpu.memref_slice %arg2[%dma_wait3A_38, %dma_wait3A_39] : memref<10112x64xf32, #tpu.memory_space<hbm>> -> memref<10112x64xf32, #tpu.memory_space<hbm>>
        tpu.wait_indirect_dma semaphore(%arg13 : memref<!tpu.dma_semaphore, #tpu.memory_space<semaphore_mem>>) src(%dma_wait3A_40 : memref<10112x64xf32, #tpu.memory_space<hbm>>) dst(%arg9 : memref<128x64xf32, #tpu.memory_space<vmem>>)
        "tpu.region"() ({
          %run_scoped3A = tpu.sem_alloc : memref<!tpu.dma_semaphore, #tpu.memory_space<semaphore_mem>>
          %dma_start3A_58 = arith.constant 0 : i32
          %dma_start3A_59 = tpu.memref_slice %arg8[%mul3A_35, %dma_start3A_58] : memref<120x128xi32, #tpu.memory_space<vmem>> -> memref<1x128xi32, #tpu.memory_space<vmem>>
          %dma_start3A_60 = tpu.memref_squeeze %dma_start3A_59 : memref<1x128xi32, #tpu.memory_space<vmem>> -> memref<128xi32, #tpu.memory_space<vmem>>
          %dma_start3A_61 = arith.constant 0 : i32
          %dma_start3A_62 = arith.constant 0 : i32
          %dma_start3A_63 = tpu.memref_slice %arg12[%dma_start3A_61, %dma_start3A_62] : memref<10112x64xf32, #tpu.memory_space<vmem_shared>> -> memref<10112x64xf32, #tpu.memory_space<vmem_shared>>
          tpu.enqueue_indirect_dma source(%arg9 : memref<128x64xf32, #tpu.memory_space<vmem>>) target(%dma_start3A_63 : memref<10112x64xf32, #tpu.memory_space<vmem_shared>>) offsets(%dma_start3A_60 : memref<128xi32, #tpu.memory_space<vmem>>) semaphore(%run_scoped3A : memref<!tpu.dma_semaphore, #tpu.memory_space<semaphore_mem>>) {add = true}
          %dma_wait3A_64 = arith.constant 0 : i32
          %dma_wait3A_65 = tpu.memref_slice %arg8[%mul3A_35, %dma_wait3A_64] : memref<120x128xi32, #tpu.memory_space<vmem>> -> memref<1x128xi32, #tpu.memory_space<vmem>>
          %dma_wait3A_66 = tpu.memref_squeeze %dma_wait3A_65 : memref<1x128xi32, #tpu.memory_space<vmem>> -> memref<128xi32, #tpu.memory_space<vmem>>
          %dma_wait3A_67 = arith.constant 0 : i32
          %dma_wait3A_68 = arith.constant 0 : i32
          %dma_wait3A_69 = tpu.memref_slice %arg12[%dma_wait3A_67, %dma_wait3A_68] : memref<10112x64xf32, #tpu.memory_space<vmem_shared>> -> memref<10112x64xf32, #tpu.memory_space<vmem_shared>>
          tpu.wait_indirect_dma semaphore(%run_scoped3A : memref<!tpu.dma_semaphore, #tpu.memory_space<semaphore_mem>>) src(%arg9 : memref<128x64xf32, #tpu.memory_space<vmem>>) dst(%dma_wait3A_69 : memref<10112x64xf32, #tpu.memory_space<vmem_shared>>)
          tpu.yield
        }) : () -> ()
        %lt3A = arith.constant 19 : i32
        %lt3A_41 = arith.cmpi slt, %scan3A_33, %lt3A : i32
        %convert_element_type3A_42 = arith.extui %lt3A_41 : i1 to i32
        %cond3A_43 = arith.constant 0 : i32
        %cond3A_44 = arith.cmpi ne, %convert_element_type3A_42, %cond3A_43 : i32
        scf.if %cond3A_44 {
          %add3A_58 = arith.constant 2 : i32
          %add3A_59 = arith.addi %mul3A_35, %add3A_58 : i32
          %dma_start3A_60 = arith.constant 0 : i32
          %dma_start3A_61 = tpu.memref_slice %arg7[%add3A_59, %dma_start3A_60] : memref<120x128xi32, #tpu.memory_space<vmem>> -> memref<1x128xi32, #tpu.memory_space<vmem>>
          %dma_start3A_62 = tpu.memref_squeeze %dma_start3A_61 : memref<1x128xi32, #tpu.memory_space<vmem>> -> memref<128xi32, #tpu.memory_space<vmem>>
          %dma_start3A_63 = arith.constant 0 : i32
          %dma_start3A_64 = arith.constant 0 : i32
          %dma_start3A_65 = tpu.memref_slice %arg2[%dma_start3A_63, %dma_start3A_64] : memref<10112x64xf32, #tpu.memory_space<hbm>> -> memref<10112x64xf32, #tpu.memory_space<hbm>>
          tpu.enqueue_indirect_dma source(%dma_start3A_65 : memref<10112x64xf32, #tpu.memory_space<hbm>>) target(%arg9 : memref<128x64xf32, #tpu.memory_space<vmem>>) offsets(%dma_start3A_62 : memref<128xi32, #tpu.memory_space<vmem>>) semaphore(%arg13 : memref<!tpu.dma_semaphore, #tpu.memory_space<semaphore_mem>>)
        } else {
        }
        %add3A_45 = arith.constant 1 : i32
        %add3A_46 = arith.addi %mul3A_35, %add3A_45 : i32
        %dma_wait3A_47 = arith.constant 0 : i32
        %dma_wait3A_48 = tpu.memref_slice %arg7[%add3A_46, %dma_wait3A_47] : memref<120x128xi32, #tpu.memory_space<vmem>> -> memref<1x128xi32, #tpu.memory_space<vmem>>
        %dma_wait3A_49 = tpu.memref_squeeze %dma_wait3A_48 : memref<1x128xi32, #tpu.memory_space<vmem>> -> memref<128xi32, #tpu.memory_space<vmem>>
        %dma_wait3A_50 = arith.constant 0 : i32
        %dma_wait3A_51 = arith.constant 0 : i32
        %dma_wait3A_52 = tpu.memref_slice %arg2[%dma_wait3A_50, %dma_wait3A_51] : memref<10112x64xf32, #tpu.memory_space<hbm>> -> memref<10112x64xf32, #tpu.memory_space<hbm>>
        tpu.wait_indirect_dma semaphore(%arg14 : memref<!tpu.dma_semaphore, #tpu.memory_space<semaphore_mem>>) src(%dma_wait3A_52 : memref<10112x64xf32, #tpu.memory_space<hbm>>) dst(%arg10 : memref<128x64xf32, #tpu.memory_space<vmem>>)
        "tpu.region"() ({
          %run_scoped3A = tpu.sem_alloc : memref<!tpu.dma_semaphore, #tpu.memory_space<semaphore_mem>>
          %dma_start3A_58 = arith.constant 0 : i32
          %dma_start3A_59 = tpu.memref_slice %arg8[%add3A_46, %dma_start3A_58] : memref<120x128xi32, #tpu.memory_space<vmem>> -> memref<1x128xi32, #tpu.memory_space<vmem>>
          %dma_start3A_60 = tpu.memref_squeeze %dma_start3A_59 : memref<1x128xi32, #tpu.memory_space<vmem>> -> memref<128xi32, #tpu.memory_space<vmem>>
          %dma_start3A_61 = arith.constant 0 : i32
          %dma_start3A_62 = arith.constant 0 : i32
          %dma_start3A_63 = tpu.memref_slice %arg12[%dma_start3A_61, %dma_start3A_62] : memref<10112x64xf32, #tpu.memory_space<vmem_shared>> -> memref<10112x64xf32, #tpu.memory_space<vmem_shared>>
          tpu.enqueue_indirect_dma source(%arg10 : memref<128x64xf32, #tpu.memory_space<vmem>>) target(%dma_start3A_63 : memref<10112x64xf32, #tpu.memory_space<vmem_shared>>) offsets(%dma_start3A_60 : memref<128xi32, #tpu.memory_space<vmem>>) semaphore(%run_scoped3A : memref<!tpu.dma_semaphore, #tpu.memory_space<semaphore_mem>>) {add = true}
          %dma_wait3A_64 = arith.constant 0 : i32
          %dma_wait3A_65 = tpu.memref_slice %arg8[%add3A_46, %dma_wait3A_64] : memref<120x128xi32, #tpu.memory_space<vmem>> -> memref<1x128xi32, #tpu.memory_space<vmem>>
          %dma_wait3A_66 = tpu.memref_squeeze %dma_wait3A_65 : memref<1x128xi32, #tpu.memory_space<vmem>> -> memref<128xi32, #tpu.memory_space<vmem>>
          %dma_wait3A_67 = arith.constant 0 : i32
          %dma_wait3A_68 = arith.constant 0 : i32
          %dma_wait3A_69 = tpu.memref_slice %arg12[%dma_wait3A_67, %dma_wait3A_68] : memref<10112x64xf32, #tpu.memory_space<vmem_shared>> -> memref<10112x64xf32, #tpu.memory_space<vmem_shared>>
          tpu.wait_indirect_dma semaphore(%run_scoped3A : memref<!tpu.dma_semaphore, #tpu.memory_space<semaphore_mem>>) src(%arg10 : memref<128x64xf32, #tpu.memory_space<vmem>>) dst(%dma_wait3A_69 : memref<10112x64xf32, #tpu.memory_space<vmem_shared>>)
          tpu.yield
        }) : () -> ()
        %lt3A_53 = arith.constant 19 : i32
        %lt3A_54 = arith.cmpi slt, %scan3A_33, %lt3A_53 : i32
        %convert_element_type3A_55 = arith.extui %lt3A_54 : i1 to i32
        %cond3A_56 = arith.constant 0 : i32
        %cond3A_57 = arith.cmpi ne, %convert_element_type3A_55, %cond3A_56 : i32
        scf.if %cond3A_57 {
          %add3A_58 = arith.constant 2 : i32
          %add3A_59 = arith.addi %add3A_46, %add3A_58 : i32
          %dma_start3A_60 = arith.constant 0 : i32
          %dma_start3A_61 = tpu.memref_slice %arg7[%add3A_59, %dma_start3A_60] : memref<120x128xi32, #tpu.memory_space<vmem>> -> memref<1x128xi32, #tpu.memory_space<vmem>>
          %dma_start3A_62 = tpu.memref_squeeze %dma_start3A_61 : memref<1x128xi32, #tpu.memory_space<vmem>> -> memref<128xi32, #tpu.memory_space<vmem>>
          %dma_start3A_63 = arith.constant 0 : i32
          %dma_start3A_64 = arith.constant 0 : i32
          %dma_start3A_65 = tpu.memref_slice %arg2[%dma_start3A_63, %dma_start3A_64] : memref<10112x64xf32, #tpu.memory_space<hbm>> -> memref<10112x64xf32, #tpu.memory_space<hbm>>
          tpu.enqueue_indirect_dma source(%dma_start3A_65 : memref<10112x64xf32, #tpu.memory_space<hbm>>) target(%arg10 : memref<128x64xf32, #tpu.memory_space<vmem>>) offsets(%dma_start3A_62 : memref<128xi32, #tpu.memory_space<vmem>>) semaphore(%arg14 : memref<!tpu.dma_semaphore, #tpu.memory_space<semaphore_mem>>)
        } else {
        }
      }
      %scan3A_32 = arith.constant 20 : i32
    } else {
    }
    %barrier3A = arith.constant 0 : index
    tpu.barrier barrier_id(%barrier3A)
    %mul3A_10 = arith.constant 632 : i32
    %mul3A_11 = arith.muli %arg1, %mul3A_10 : i32
    "tpu.region"() ({
      %run_scoped3A = tpu.sem_alloc : memref<!tpu.dma_semaphore, #tpu.memory_space<semaphore_mem>>
      %dma_start3A = arith.constant 0 : i32
      %dma_start3A_12 = tpu.memref_slice %arg12[%mul3A_11, %dma_start3A] : memref<10112x64xf32, #tpu.memory_space<vmem_shared>> -> memref<632x64xf32, #tpu.memory_space<vmem_shared>>
      %dma_start3A_13 = arith.constant 0 : i32
      %dma_start3A_14 = tpu.memref_slice %arg12[%mul3A_11, %dma_start3A_13] : memref<10112x64xf32, #tpu.memory_space<vmem_shared>> -> memref<632x64xf32, #tpu.memory_space<vmem_shared>>
      tpu.enqueue_dma source(%dma_start3A_14 : memref<632x64xf32, #tpu.memory_space<vmem_shared>>) target(%arg11 : memref<632x64xf32, #tpu.memory_space<vmem>>) target_semaphore(%run_scoped3A : memref<!tpu.dma_semaphore, #tpu.memory_space<semaphore_mem>>)
      %dma_wait3A = arith.constant 0 : i32
      %dma_wait3A_15 = tpu.memref_slice %arg12[%mul3A_11, %dma_wait3A] : memref<10112x64xf32, #tpu.memory_space<vmem_shared>> -> memref<632x64xf32, #tpu.memory_space<vmem_shared>>
      %dma_wait3A_16 = arith.constant 0 : i32
      %dma_wait3A_17 = tpu.memref_slice %arg12[%mul3A_11, %dma_wait3A_16] : memref<10112x64xf32, #tpu.memory_space<vmem_shared>> -> memref<632x64xf32, #tpu.memory_space<vmem_shared>>
      tpu.wait_dma2 semaphore(%run_scoped3A : memref<!tpu.dma_semaphore, #tpu.memory_space<semaphore_mem>>) src(%dma_wait3A_17 : memref<632x64xf32, #tpu.memory_space<vmem_shared>>) dst(%arg11 : memref<632x64xf32, #tpu.memory_space<vmem>>)
      tpu.yield
    }) : () -> ()
    "tpu.region"() ({
      %run_scoped3A = tpu.sem_alloc : memref<!tpu.dma_semaphore, #tpu.memory_space<semaphore_mem>>
      %dma_start3A = arith.constant 0 : i32
      %dma_start3A_12 = arith.constant 0 : i32
      %dma_start3A_13 = tpu.memref_slice %arg6[%arg0, %arg1, %dma_start3A, %dma_start3A_12] : memref<2x16x632x64xf32, #tpu.memory_space<hbm>> -> memref<1x1x632x64xf32, #tpu.memory_space<hbm>>
      %dma_start3A_14 = tpu.memref_squeeze %dma_start3A_13 : memref<1x1x632x64xf32, #tpu.memory_space<hbm>> -> memref<632x64xf32, #tpu.memory_space<hbm>>
      %dma_start3A_15 = arith.constant 0 : i32
      %dma_start3A_16 = arith.constant 0 : i32
      %dma_start3A_17 = tpu.memref_slice %arg6[%arg0, %arg1, %dma_start3A_15, %dma_start3A_16] : memref<2x16x632x64xf32, #tpu.memory_space<hbm>> -> memref<1x1x632x64xf32, #tpu.memory_space<hbm>>
      %dma_start3A_18 = tpu.memref_squeeze %dma_start3A_17 : memref<1x1x632x64xf32, #tpu.memory_space<hbm>> -> memref<632x64xf32, #tpu.memory_space<hbm>>
      tpu.enqueue_dma source(%arg11 : memref<632x64xf32, #tpu.memory_space<vmem>>) target(%dma_start3A_18 : memref<632x64xf32, #tpu.memory_space<hbm>>) target_semaphore(%run_scoped3A : memref<!tpu.dma_semaphore, #tpu.memory_space<semaphore_mem>>)
      %dma_wait3A = arith.constant 0 : i32
      %dma_wait3A_19 = arith.constant 0 : i32
      %dma_wait3A_20 = tpu.memref_slice %arg6[%arg0, %arg1, %dma_wait3A, %dma_wait3A_19] : memref<2x16x632x64xf32, #tpu.memory_space<hbm>> -> memref<1x1x632x64xf32, #tpu.memory_space<hbm>>
      %dma_wait3A_21 = tpu.memref_squeeze %dma_wait3A_20 : memref<1x1x632x64xf32, #tpu.memory_space<hbm>> -> memref<632x64xf32, #tpu.memory_space<hbm>>
      %dma_wait3A_22 = arith.constant 0 : i32
      %dma_wait3A_23 = arith.constant 0 : i32
      %dma_wait3A_24 = tpu.memref_slice %arg6[%arg0, %arg1, %dma_wait3A_22, %dma_wait3A_23] : memref<2x16x632x64xf32, #tpu.memory_space<hbm>> -> memref<1x1x632x64xf32, #tpu.memory_space<hbm>>
      %dma_wait3A_25 = tpu.memref_squeeze %dma_wait3A_24 : memref<1x1x632x64xf32, #tpu.memory_space<hbm>> -> memref<632x64xf32, #tpu.memory_space<hbm>>
      tpu.wait_dma2 semaphore(%run_scoped3A : memref<!tpu.dma_semaphore, #tpu.memory_space<semaphore_mem>>) src(%arg11 : memref<632x64xf32, #tpu.memory_space<vmem>>) dst(%dma_wait3A_25 : memref<632x64xf32, #tpu.memory_space<hbm>>)
      tpu.yield
    }) : () -> ()
    return
  }
}

module attributes {stable_mosaic.version = 14 : i64} {
  func.func @body(%arg0: i32, %arg1: memref<632x2xf32, #tpu.memory_space<vmem>>, %arg2: memref<632x128xf32, #tpu.memory_space<vmem>>, %arg3: memref<128x64xf32, #tpu.memory_space<vmem>>, %arg4: memref<632x64xf32, #tpu.memory_space<vmem>>, %arg5: memref<632x1xf32, #tpu.memory_space<vmem>>) attributes {dimension_semantics = [#tpu.dimension_semantics<arbitrary>], iteration_bounds = array<i64: 16>, scalar_prefetch = 0 : i64, scratch_operands = 0 : i64, tpu.core_type = #tpu.core_type<tc>, window_params = [{transform_indices = @transform_0, window_bounds = array<i64: 632, 2>}, {transform_indices = @transform_1, window_bounds = array<i64: 632, 128>}, {pipeline_mode = #tpu.pipeline_mode<synchronous>, transform_indices = @transform_2, window_bounds = array<i64: 128, 64>}, {transform_indices = @transform_3, window_bounds = array<i64: 632, 64>}, {transform_indices = @transform_4, window_bounds = array<i64: 632, 1>}]} {
    %get3A = arith.constant 0 : index
    %get3A_0 = arith.constant 0 : index
    %get3A_1 = vector.load %arg1[%get3A, %get3A_0] : memref<632x2xf32, #tpu.memory_space<vmem>>, vector<632x1xf32>
    %get3A_2 = vector.shape_cast %get3A_1 : vector<632x1xf32> to vector<632xf32>
    %get3A_3 = arith.constant 0 : index
    %get3A_4 = arith.constant 1 : index
    %get3A_5 = vector.load %arg1[%get3A_3, %get3A_4] : memref<632x2xf32, #tpu.memory_space<vmem>>, vector<632x1xf32>
    %get3A_6 = vector.shape_cast %get3A_5 : vector<632x1xf32> to vector<632xf32>
    %add3A = arith.addf %get3A_2, %get3A_6 : vector<632xf32>
    %add3A_7 = arith.constant 1.000000e+00 : f32
    %add3A_8 = vector.broadcast %add3A_7 : f32 to vector<632xf32>
    %add3A_9 = arith.addf %add3A, %add3A_8 : vector<632xf32>
    %max3A = arith.constant 9.99999996E-13 : f32
    %max3A_10 = vector.broadcast %max3A : f32 to vector<632xf32>
    %max3A_11 = arith.maximumf %add3A_9, %max3A_10 : vector<632xf32>
    %rsqrt3A = math.rsqrt %max3A_11 : vector<632xf32>
    %get3A_12 = arith.constant 0 : index
    %get3A_13 = arith.constant 0 : index
    %get3A_14 = vector.load %arg2[%get3A_12, %get3A_13] : memref<632x128xf32, #tpu.memory_space<vmem>>, vector<632x128xf32>
    %get3A_15 = arith.constant 0 : index
    %get3A_16 = arith.constant 0 : index
    %get3A_17 = vector.load %arg3[%get3A_15, %get3A_16] : memref<128x64xf32, #tpu.memory_space<vmem>>, vector<128x64xf32>
    %dot_general3A = arith.constant dense<0.000000e+00> : vector<632x64xf32>
    %dot_general3A_18 = tpu.matmul %get3A_14, %get3A_17, %dot_general3A {dimension_numbers = #tpu.dot_dimension_numbers<[1], [0], [0], [1], [0, 0, 1, 1], [], []>, transpose_lhs_hint = false} : vector<632x128xf32>, vector<128x64xf32>, vector<632x64xf32> -> vector<632x64xf32>
    %broadcast_in_dim3A = vector.shape_cast %rsqrt3A : vector<632xf32> to vector<632x1xf32>
    %mul3A = vector.broadcast %broadcast_in_dim3A : vector<632x1xf32> to vector<632x64xf32>
    %mul3A_19 = arith.mulf %dot_general3A_18, %mul3A : vector<632x64xf32>
    %swap3A = arith.constant 0 : index
    %swap3A_20 = arith.constant 0 : index
    %swap3A_21 = vector.load %arg4[%swap3A, %swap3A_20] : memref<632x64xf32, #tpu.memory_space<vmem>>, vector<632x64xf32>
    tpu.vector_store %arg4[%swap3A, %swap3A_20], %mul3A_19 {strides = array<i32>} : memref<632x64xf32, #tpu.memory_space<vmem>>, vector<632x64xf32>,
    %broadcast_in_dim3A_22 = vector.shape_cast %rsqrt3A : vector<632xf32> to vector<632x1xf32>
    %swap3A_23 = arith.constant 0 : index
    %swap3A_24 = arith.constant 0 : index
    %swap3A_25 = vector.load %arg5[%swap3A_23, %swap3A_24] : memref<632x1xf32, #tpu.memory_space<vmem>>, vector<632x1xf32>
    tpu.vector_store %arg5[%swap3A_23, %swap3A_24], %broadcast_in_dim3A_22 {strides = array<i32>} : memref<632x1xf32, #tpu.memory_space<vmem>>, vector<632x1xf32>,
    return
  }
  func.func @transform_0(%arg0: i32) -> (i32, i32) {
    %c0_i32 = arith.constant 0 : i32
    %c0_i32_0 = arith.constant 0 : i32
    return %arg0, %c0_i32 : i32, i32
  }
  func.func @transform_1(%arg0: i32) -> (i32, i32) {
    %c0_i32 = arith.constant 0 : i32
    %c0_i32_0 = arith.constant 0 : i32
    return %arg0, %c0_i32 : i32, i32
  }
  func.func @transform_2(%arg0: i32) -> (i32, i32) {
    %c0_i32 = arith.constant 0 : i32
    %c0_i32_0 = arith.constant 0 : i32
    %c0_i32_1 = arith.constant 0 : i32
    return %c0_i32, %c0_i32_0 : i32, i32
  }
  func.func @transform_3(%arg0: i32) -> (i32, i32) {
    %c0_i32 = arith.constant 0 : i32
    %c0_i32_0 = arith.constant 0 : i32
    return %arg0, %c0_i32 : i32, i32
  }
  func.func @transform_4(%arg0: i32) -> (i32, i32) {
    %c0_i32 = arith.constant 0 : i32
    %c0_i32_0 = arith.constant 0 : i32
    return %arg0, %c0_i32 : i32, i32
  }
}

module attributes {stable_mosaic.version = 14 : i64} {
  func.func @body(%arg0: i32, %arg1: memref<2x632x64xf32, #tpu.memory_space<vmem>>, %arg2: memref<632x64xf32, #tpu.memory_space<vmem>>, %arg3: memref<632x1xf32, #tpu.memory_space<vmem>>, %arg4: memref<64x32xf32, #tpu.memory_space<vmem>>, %arg5: memref<632x32xf32, #tpu.memory_space<vmem>>) attributes {dimension_semantics = [#tpu.dimension_semantics<arbitrary>], iteration_bounds = array<i64: 16>, scalar_prefetch = 0 : i64, scratch_operands = 0 : i64, tpu.core_type = #tpu.core_type<tc>, window_params = [{transform_indices = @transform_0, window_bounds = array<i64: 2, 632, 64>}, {transform_indices = @transform_1, window_bounds = array<i64: 632, 64>}, {transform_indices = @transform_2, window_bounds = array<i64: 632, 1>}, {pipeline_mode = #tpu.pipeline_mode<synchronous>, transform_indices = @transform_3, window_bounds = array<i64: 64, 32>}, {transform_indices = @transform_4, window_bounds = array<i64: 632, 32>}]} {
    %get3A = arith.constant 0 : index
    %get3A_0 = arith.constant 0 : index
    %get3A_1 = vector.load %arg3[%get3A, %get3A_0] : memref<632x1xf32, #tpu.memory_space<vmem>>, vector<632x1xf32>
    %get3A_2 = arith.constant 0 : index
    %get3A_3 = arith.constant 0 : index
    %get3A_4 = arith.constant 0 : index
    %get3A_5 = vector.load %arg1[%get3A_2, %get3A_3, %get3A_4] : memref<2x632x64xf32, #tpu.memory_space<vmem>>, vector<1x632x64xf32>
    %get3A_6 = vector.shape_cast %get3A_5 : vector<1x632x64xf32> to vector<632x64xf32>
    %get3A_7 = arith.constant 1 : index
    %get3A_8 = arith.constant 0 : index
    %get3A_9 = arith.constant 0 : index
    %get3A_10 = vector.load %arg1[%get3A_7, %get3A_8, %get3A_9] : memref<2x632x64xf32, #tpu.memory_space<vmem>>, vector<1x632x64xf32>
    %get3A_11 = vector.shape_cast %get3A_10 : vector<1x632x64xf32> to vector<632x64xf32>
    %add3A = arith.addf %get3A_6, %get3A_11 : vector<632x64xf32>
    %get3A_12 = arith.constant 0 : index
    %get3A_13 = arith.constant 0 : index
    %get3A_14 = vector.load %arg2[%get3A_12, %get3A_13] : memref<632x64xf32, #tpu.memory_space<vmem>>, vector<632x64xf32>
    %add3A_15 = arith.addf %add3A, %get3A_14 : vector<632x64xf32>
    %mul3A = vector.broadcast %get3A_1 : vector<632x1xf32> to vector<632x64xf32>
    %mul3A_16 = arith.mulf %add3A_15, %mul3A : vector<632x64xf32>
    %max3A = arith.constant 0.000000e+00 : f32
    %max3A_17 = vector.broadcast %max3A : f32 to vector<632x64xf32>
    %max3A_18 = arith.maximumf %mul3A_16, %max3A_17 : vector<632x64xf32>
    %get3A_19 = arith.constant 0 : index
    %get3A_20 = arith.constant 0 : index
    %get3A_21 = vector.load %arg4[%get3A_19, %get3A_20] : memref<64x32xf32, #tpu.memory_space<vmem>>, vector<64x32xf32>
    %dot_general3A = arith.constant dense<0.000000e+00> : vector<632x32xf32>
    %dot_general3A_22 = tpu.matmul %max3A_18, %get3A_21, %dot_general3A {dimension_numbers = #tpu.dot_dimension_numbers<[1], [0], [0], [1], [0, 0, 1, 1], [], []>, transpose_lhs_hint = false} : vector<632x64xf32>, vector<64x32xf32>, vector<632x32xf32> -> vector<632x32xf32>
    %mul3A_23 = vector.broadcast %get3A_1 : vector<632x1xf32> to vector<632x32xf32>
    %mul3A_24 = arith.mulf %dot_general3A_22, %mul3A_23 : vector<632x32xf32>
    %swap3A = arith.constant 0 : index
    %swap3A_25 = arith.constant 0 : index
    %swap3A_26 = vector.load %arg5[%swap3A, %swap3A_25] : memref<632x32xf32, #tpu.memory_space<vmem>>, vector<632x32xf32>
    tpu.vector_store %arg5[%swap3A, %swap3A_25], %mul3A_24 {strides = array<i32>} : memref<632x32xf32, #tpu.memory_space<vmem>>, vector<632x32xf32>,
    return
  }
  func.func @transform_0(%arg0: i32) -> (i32, i32, i32) {
    %c0_i32 = arith.constant 0 : i32
    %c0_i32_0 = arith.constant 0 : i32
    %c0_i32_1 = arith.constant 0 : i32
    return %c0_i32, %arg0, %c0_i32_0 : i32, i32, i32
  }
  func.func @transform_1(%arg0: i32) -> (i32, i32) {
    %c0_i32 = arith.constant 0 : i32
    %c0_i32_0 = arith.constant 0 : i32
    return %arg0, %c0_i32 : i32, i32
  }
  func.func @transform_2(%arg0: i32) -> (i32, i32) {
    %c0_i32 = arith.constant 0 : i32
    %c0_i32_0 = arith.constant 0 : i32
    return %arg0, %c0_i32 : i32, i32
  }
  func.func @transform_3(%arg0: i32) -> (i32, i32) {
    %c0_i32 = arith.constant 0 : i32
    %c0_i32_0 = arith.constant 0 : i32
    %c0_i32_1 = arith.constant 0 : i32
    return %c0_i32, %c0_i32_0 : i32, i32
  }
  func.func @transform_4(%arg0: i32) -> (i32, i32) {
    %c0_i32 = arith.constant 0 : i32
    %c0_i32_0 = arith.constant 0 : i32
    return %arg0, %c0_i32 : i32, i32
  }
}

module attributes {stable_mosaic.version = 14 : i64} {
  func.func @body(%arg0: i32, %arg1: memref<2x632x32xf32, #tpu.memory_space<vmem>>, %arg2: memref<632x32xf32, #tpu.memory_space<vmem>>, %arg3: memref<632x1xf32, #tpu.memory_space<vmem>>, %arg4: memref<632x32xf32, #tpu.memory_space<vmem>>) attributes {dimension_semantics = [#tpu.dimension_semantics<arbitrary>], iteration_bounds = array<i64: 16>, scalar_prefetch = 0 : i64, scratch_operands = 0 : i64, tpu.core_type = #tpu.core_type<tc>, window_params = [{transform_indices = @transform_0, window_bounds = array<i64: 2, 632, 32>}, {transform_indices = @transform_1, window_bounds = array<i64: 632, 32>}, {transform_indices = @transform_2, window_bounds = array<i64: 632, 1>}, {transform_indices = @transform_3, window_bounds = array<i64: 632, 32>}]} {
    %get3A = arith.constant 0 : index
    %get3A_0 = arith.constant 0 : index
    %get3A_1 = arith.constant 0 : index
    %get3A_2 = vector.load %arg1[%get3A, %get3A_0, %get3A_1] : memref<2x632x32xf32, #tpu.memory_space<vmem>>, vector<1x632x32xf32>
    %get3A_3 = vector.shape_cast %get3A_2 : vector<1x632x32xf32> to vector<632x32xf32>
    %get3A_4 = arith.constant 1 : index
    %get3A_5 = arith.constant 0 : index
    %get3A_6 = arith.constant 0 : index
    %get3A_7 = vector.load %arg1[%get3A_4, %get3A_5, %get3A_6] : memref<2x632x32xf32, #tpu.memory_space<vmem>>, vector<1x632x32xf32>
    %get3A_8 = vector.shape_cast %get3A_7 : vector<1x632x32xf32> to vector<632x32xf32>
    %add3A = arith.addf %get3A_3, %get3A_8 : vector<632x32xf32>
    %get3A_9 = arith.constant 0 : index
    %get3A_10 = arith.constant 0 : index
    %get3A_11 = vector.load %arg2[%get3A_9, %get3A_10] : memref<632x32xf32, #tpu.memory_space<vmem>>, vector<632x32xf32>
    %add3A_12 = arith.addf %add3A, %get3A_11 : vector<632x32xf32>
    %get3A_13 = arith.constant 0 : index
    %get3A_14 = arith.constant 0 : index
    %get3A_15 = vector.load %arg3[%get3A_13, %get3A_14] : memref<632x1xf32, #tpu.memory_space<vmem>>, vector<632x1xf32>
    %mul3A = vector.broadcast %get3A_15 : vector<632x1xf32> to vector<632x32xf32>
    %mul3A_16 = arith.mulf %add3A_12, %mul3A : vector<632x32xf32>
    %iota3A = tpu.iota {dimensions = array<i32: 0>} : vector<632x32xi32>
    %mul3A_17 = arith.constant 632 : i32
    %mul3A_18 = arith.muli %arg0, %mul3A_17 : i32
    %add3A_19 = vector.broadcast %mul3A_18 : i32 to vector<632x32xi32>
    %add3A_20 = arith.addi %iota3A, %add3A_19 : vector<632x32xi32>
    %lt3A = arith.constant 10000 : i32
    %lt3A_21 = vector.broadcast %lt3A : i32 to vector<632x32xi32>
    %lt3A_22 = arith.cmpi slt, %add3A_20, %lt3A_21 : vector<632x32xi32>
    %jit3A = arith.constant 0.000000e+00 : f32
    %broadcast_in_dim3A = vector.broadcast %jit3A : f32 to vector<632x32xf32>
    %select_n3A = arith.select %lt3A_22, %mul3A_16, %broadcast_in_dim3A : vector<632x32xi1>, vector<632x32xf32>
    %swap3A = arith.constant 0 : index
    %swap3A_23 = arith.constant 0 : index
    %swap3A_24 = vector.load %arg4[%swap3A, %swap3A_23] : memref<632x32xf32, #tpu.memory_space<vmem>>, vector<632x32xf32>
    tpu.vector_store %arg4[%swap3A, %swap3A_23], %select_n3A {strides = array<i32>} : memref<632x32xf32, #tpu.memory_space<vmem>>, vector<632x32xf32>,
    return
  }
  func.func @transform_0(%arg0: i32) -> (i32, i32, i32) {
    %c0_i32 = arith.constant 0 : i32
    %c0_i32_0 = arith.constant 0 : i32
    %c0_i32_1 = arith.constant 0 : i32
    return %c0_i32, %arg0, %c0_i32_0 : i32, i32, i32
  }
  func.func @transform_1(%arg0: i32) -> (i32, i32) {
    %c0_i32 = arith.constant 0 : i32
    %c0_i32_0 = arith.constant 0 : i32
    return %arg0, %c0_i32 : i32, i32
  }
  func.func @transform_2(%arg0: i32) -> (i32, i32) {
    %c0_i32 = arith.constant 0 : i32
    %c0_i32_0 = arith.constant 0 : i32
    return %arg0, %c0_i32 : i32, i32
  }
  func.func @transform_3(%arg0: i32) -> (i32, i32) {
    %c0_i32 = arith.constant 0 : i32
    %c0_i32_0 = arith.constant 0 : i32
    return %arg0, %c0_i32 : i32, i32
  }
}

module attributes {stable_mosaic.version = 14 : i64} {
  func.func @body(%arg0: i32, %arg1: i32, %arg2: memref<632x32xf32, #tpu.memory_space<vmem>>, %arg3: memref<632x32xf32, #tpu.memory_space<vmem>>, %arg4: memref<1x1xf32, #tpu.memory_space<smem>>, %arg5: memref<1x1xf32, #tpu.memory_space<smem>>) attributes {dimension_semantics = [#tpu.dimension_semantics<arbitrary>, #tpu.dimension_semantics<arbitrary>], iteration_bounds = array<i64: 16, 16>, scalar_prefetch = 0 : i64, scratch_operands = 1 : i64, tpu.core_type = #tpu.core_type<tc>, window_params = [{transform_indices = @transform_0, window_bounds = array<i64: 632, 32>}, {transform_indices = @transform_1, window_bounds = array<i64: 632, 32>}, {transform_indices = @transform_2, window_bounds = array<i64: 1, 1>}]} {
    %eq3A = arith.constant 0 : i32
    %eq3A_0 = arith.cmpi eq, %arg0, %eq3A : i32
    %eq3A_1 = arith.constant 0 : i32
    %eq3A_2 = arith.cmpi eq, %arg1, %eq3A_1 : i32
    %and3A = arith.andi %eq3A_0, %eq3A_2 : i1
    %convert_element_type3A = arith.extui %and3A : i1 to i32
    %cond3A = arith.constant 0 : i32
    %cond3A_3 = arith.cmpi ne, %convert_element_type3A, %cond3A : i32
    scf.if %cond3A_3 {
      %swap3A_29 = arith.constant 0.000000e+00 : f32
      %swap3A_30 = arith.constant 0 : index
      %swap3A_31 = arith.constant 0 : index
      %swap3A_32 = memref.load %arg5[%swap3A_30, %swap3A_31] : memref<1x1xf32, #tpu.memory_space<smem>>
      memref.store %swap3A_29, %arg5[%swap3A_30, %swap3A_31] : memref<1x1xf32, #tpu.memory_space<smem>>
    } else {
    }
    %get3A = arith.constant 0 : index
    %get3A_4 = arith.constant 0 : index
    %get3A_5 = vector.load %arg2[%get3A, %get3A_4] : memref<632x32xf32, #tpu.memory_space<vmem>>, vector<632x32xf32>
    %get3A_6 = arith.constant 0 : index
    %get3A_7 = arith.constant 0 : index
    %get3A_8 = vector.load %arg3[%get3A_6, %get3A_7] : memref<632x32xf32, #tpu.memory_space<vmem>>, vector<632x32xf32>
    %dot_general3A = arith.constant dense<0.000000e+00> : vector<632x632xf32>
    %dot_general3A_9 = tpu.matmul %get3A_5, %get3A_8, %dot_general3A {dimension_numbers = #tpu.dot_dimension_numbers<[1], [1], [0], [0], [0, 0, 1, 0], [], []>, transpose_lhs_hint = false} : vector<632x32xf32>, vector<632x32xf32>, vector<632x632xf32> -> vector<632x632xf32>
    %get3A_10 = arith.constant 0 : index
    %get3A_11 = arith.constant 0 : index
    %get3A_12 = memref.load %arg5[%get3A_10, %get3A_11] : memref<1x1xf32, #tpu.memory_space<smem>>
    %mul3A = arith.constant 5.000000e-01 : f32
    %mul3A_13 = vector.broadcast %mul3A : f32 to vector<632x632xf32>
    %mul3A_14 = arith.mulf %mul3A_13, %dot_general3A_9 : vector<632x632xf32>
    %tanh3A = math.tanh %mul3A_14 : vector<632x632xf32>
    %reduce_sum3A = vector.shape_cast %tanh3A : vector<632x632xf32> to vector<1x632x632xf32>
    %reduce_sum3A_15 = arith.constant dense<0.000000e+00> : vector<1xf32>
    %reduce_sum3A_16 = vector.multi_reduction <add>, %reduce_sum3A, %reduce_sum3A_15 [1, 2] : vector<1x632x632xf32> to vector<1xf32>
    %reduce_sum3A_17 = vector.shape_cast %reduce_sum3A_16 : vector<1xf32> to vector<1x1x1xf32>
    %reduce_sum3A_18 = vector.extract %reduce_sum3A_17[0, 0, 0] : f32 from vector<1x1x1xf32>
    %add3A = arith.addf %get3A_12, %reduce_sum3A_18 : f32
    %swap3A = arith.constant 0 : index
    %swap3A_19 = arith.constant 0 : index
    %swap3A_20 = memref.load %arg5[%swap3A, %swap3A_19] : memref<1x1xf32, #tpu.memory_space<smem>>
    memref.store %add3A, %arg5[%swap3A, %swap3A_19] : memref<1x1xf32, #tpu.memory_space<smem>>
    %eq3A_21 = arith.constant 15 : i32
    %eq3A_22 = arith.cmpi eq, %arg0, %eq3A_21 : i32
    %eq3A_23 = arith.constant 15 : i32
    %eq3A_24 = arith.cmpi eq, %arg1, %eq3A_23 : i32
    %and3A_25 = arith.andi %eq3A_22, %eq3A_24 : i1
    %convert_element_type3A_26 = arith.extui %and3A_25 : i1 to i32
    %cond3A_27 = arith.constant 0 : i32
    %cond3A_28 = arith.cmpi ne, %convert_element_type3A_26, %cond3A_27 : i32
    scf.if %cond3A_28 {
      %get3A_29 = arith.constant 0 : index
      %get3A_30 = arith.constant 0 : index
      %get3A_31 = memref.load %arg5[%get3A_29, %get3A_30] : memref<1x1xf32, #tpu.memory_space<smem>>
      %div3A = arith.constant 2.000000e+08 : f32
      %div3A_32 = arith.divf %get3A_31, %div3A : f32
      %sub3A = arith.constant -5.000000e-01 : f32
      %sub3A_33 = arith.subf %sub3A, %div3A_32 : f32
      %swap3A_34 = arith.constant 0 : index
      %swap3A_35 = arith.constant 0 : index
      %swap3A_36 = memref.load %arg4[%swap3A_34, %swap3A_35] : memref<1x1xf32, #tpu.memory_space<smem>>
      memref.store %sub3A_33, %arg4[%swap3A_34, %swap3A_35] : memref<1x1xf32, #tpu.memory_space<smem>>
    } else {
    }
    return
  }
  func.func @transform_0(%arg0: i32, %arg1: i32) -> (i32, i32) {
    %c0_i32 = arith.constant 0 : i32
    %c0_i32_0 = arith.constant 0 : i32
    return %arg0, %c0_i32 : i32, i32
  }
  func.func @transform_1(%arg0: i32, %arg1: i32) -> (i32, i32) {
    %c0_i32 = arith.constant 0 : i32
    %c0_i32_0 = arith.constant 0 : i32
    return %arg1, %c0_i32 : i32, i32
  }
  func.func @transform_2(%arg0: i32, %arg1: i32) -> (i32, i32) {
    %c0_i32 = arith.constant 0 : i32
    %c0_i32_0 = arith.constant 0 : i32
    %c0_i32_1 = arith.constant 0 : i32
    return %c0_i32, %c0_i32_0 : i32, i32
  }
}

</mosaic_0001>

<sc_bundles>
// kernel: sc_deg.3.cloned.1.call-start
scs
__scs_entry_jumppad:
0x0: {  	(pc) =	sbr.rel $0x88, $3  }
0x1: {  	(tag) =	ssettag $0x0;
	lr =	simm.s32 $0x1  }
0x2: {  	[smem:$0x3F9D] =	sst lr;
	_ =	strace $0xD0000000  }
0x3: {  	_ = 	snop  }
0x4: {  	_ = 	snop  }
0x5: {  	_ = 	snop  }
0x6: {  	_ = 	snop  }
0x7: {  	_ = 	snop  }
__scs_overlays_trampoline_lowered:
0x8: {  	[smem:$0x3FAC] =	sst s0  }
0x9: {  	[smem:$0x3FAD] =	sst s1  }
0xa: {  	[smem:$0x3FAE] =	sst s2  }
0xb: {  	[smem:$0x3FAF] =	sst s3  }
0xc: {  	[smem:$0x3FB0] =	sst s4  }
0xd: {  	[smem:$0x3FB1] =	sst s5  }
0xe: {  	[smem:$0x3FB2] =	sst s6  }
0xf: {  	[smem:$0x3FB3] =	sst s7  }
0x10: {  	[smem:$0x3FB4] =	sst s8  }
0x11: {  	[smem:$0x3FB5] =	sst s9;
	s0 =	simm.s32 @!p0 $0x0  }
0x12: {  	s1 =	sld [smem:$0x3F9B];
	s0 =	simm.s32 @p0 $0x1  }
0x13: {  	[smem:$0x3FB6] =	sst s0;
	s0 =	simm.s32 @!p1 $0x0  }
0x14: {  	s2 =	sld [smem:$0x3F9A];
	s0 =	simm.s32 @p1 $0x1  }
0x15: {  	[smem:$0x3FB7] =	sst s0;
	s0 =	simm.s32 @!p2 $0x0  }
0x16: {  	s3 =	sld [smem:$0x3FDB];
	s0 =	simm.s32 @p2 $0x1  }
0x17: {  	s4 =	simm.s32 $0x1BF5;
	[smem:$0x3FB9] =	sst s0  }
0x18: {  	s0 =	sld [smem:$0x3F9C];
	_ =	swait.ge [sflag:s4], $0x0  }
0x19: {  	s7 =	sld [smem:$0x3F9D]  }
0x1a: {  	s8 =	sadd.s32 $0xFFFFE003, lr  }
0x1b: {  	s9 =	sadd.s32 $0xFFFFFEF7, lr;
	s5 =	simm.s32 $0xFFFFFFFF;
	p2 =	slt.u32 s8, $0xFFFFF086  }
0x1c: {  	p1 =	slt.u32 s9, $0xF7A;
	s5 =	simm.s32 @!p2 $0x0  }
0x1d: {  	s5 =	simm.s32 @p1 $0x1;
	p0 =	seq.s32 s7, s2  }
0x1e: {  	s7 =	smul.u32 @!p0 $0xF7A, s2;
	p2 =	seq.s32 @!p0 s5, $0x0  }
0x1f: {  	s9 =	smul.u32 $0xF7A, s1;
	s8 =	simm.s32 @!p0 $0x1BF5;
	p2 =	por !p2, p0  }
0x20: {  	[sflag:s8] =	ssyncset.s32 @!p0 $0xFFFFF086;
	s6 =	sadd.s32 @!p0 s3, s7;
	s7 =	simm.s32 @!p0 $0x108  }
0x21: {  	s3 =	sadd.s32 s3, s9;
	s6 =	sadd.s32 @!p0 $0x88, s6;
	s7 =	simm.s32 @p2 $0x1082  }
0x22: {  	[simem:s7], [sflag:s8] =	dma.local @!p0 [hbm:s6], $0xF7A  }
0x23: {  	s9 =	sor.u32 $0xD0000000, s2;
	s6 =	simm.s32 $0x108;
	_ =	swait.ge @!p0 [sflag:s8], $0x0  }
0x24: {  	s3 =	sadd.s32 $0x88, s3;
	s6 =	simm.s32 @!p1 $0x1082;
	[sflag:s4] =	ssyncset.s32 $0xFFFFF086  }
0x25: {  	[simem:s6], [sflag:s4] =	dma.local [hbm:s3], $0xF7A  }
0x26: {  	[smem:$0x3F9D] =	sst s1;
	(tag) =	ssettag s2;
	_ =	strace s9  }
0x27: {  	s1 =	sld [smem:$0x3FAD]  }
0x28: {  	s2 =	sld [smem:$0x3FAE]  }
0x29: {  	s4 =	sld [smem:$0x3FB0]  }
0x2a: {  	p0 =	seq.s32 s5, $0x0;
	s5 =	sld [smem:$0x3FB1]  }
0x2b: {  	s6 =	sld [smem:$0x3FB2]  }
0x2c: {  	s7 =	sld [smem:$0x3FB3]  }
0x2d: {  	s3 =	simm.s32 $0x108;
	s8 =	sld [smem:$0x3FB4]  }
0x2e: {  	s3 =	simm.s32 @!p0 $0x1082;
	s9 =	sld [smem:$0x3FB5]  }
0x2f: {  	lr =	sadd.s32 s0, s3;
	s0 =	sld [smem:$0x3FAC]  }
0x30: {  	s3 =	sld [smem:$0x3FAF]  }
0x31: {  	[smem:$0x3FB8] =	sst s10  }
0x32: {  	s10 =	sld [smem:$0x3FB6];
	_ =	sdelay $0x3  }
0x33: {  	p0 =	seq.s32 s10, $0x1;
	s10 =	sld [smem:$0x3FB8];
	_ =	sdelay $0x3  }
0x34: {  	[smem:$0x3FB8] =	sst s10  }
0x35: {  	s10 =	sld [smem:$0x3FB7];
	_ =	sdelay $0x3  }
0x36: {  	p1 =	seq.s32 s10, $0x1;
	s10 =	sld [smem:$0x3FB8];
	_ =	sdelay $0x3  }
0x37: {  	[smem:$0x3FB8] =	sst s10  }
0x38: {  	s10 =	sld [smem:$0x3FB9]  }
0x39: {  	_ = 	snop;
	(pc) =	sbr.ind lr, $3  }
0x3a: {  	_ = 	snop  }
0x3b: {  	_ = 	snop  }
0x3c: {  	p2 =	seq.s32 s10, $0x1;
	s10 =	sld [smem:$0x3FB8]  }
0x3d: {  	_ =	shalt  }
0x3e: {  	_ =	shalt  }
0x3f: {  	_ =	shalt  }
0x40: {  	_ =	shalt  }
0x41: {  	_ =	shalt  }
0x42: {  	_ =	shalt  }
0x43: {  	_ =	shalt  }
0x44: {  	_ =	shalt  }
0x45: {  	_ =	shalt  }
0x46: {  	_ =	shalt  }
0x47: {  	_ =	shalt  }
0x48: {  	_ =	shalt  }
0x49: {  	_ =	shalt  }
0x4a: {  	_ =	shalt  }
0x4b: {  	_ =	shalt  }
0x4c: {  	_ =	shalt  }
0x4d: {  	_ =	shalt  }
0x4e: {  	_ =	shalt  }
0x4f: {  	_ =	shalt  }
0x50: {  	_ =	shalt  }
0x51: {  	_ =	shalt  }
0x52: {  	_ =	shalt  }
0x53: {  	_ =	shalt  }
0x54: {  	_ =	shalt  }
0x55: {  	_ =	shalt  }
0x56: {  	_ =	shalt  }
0x57: {  	_ =	shalt  }
0x58: {  	_ =	shalt  }
0x59: {  	_ =	shalt  }
0x5a: {  	_ =	shalt  }
0x5b: {  	_ =	shalt  }
0x5c: {  	_ =	shalt  }
0x5d: {  	_ =	shalt  }
0x5e: {  	_ =	shalt  }
0x5f: {  	_ =	shalt  }
0x60: {  	_ =	shalt  }
0x61: {  	_ =	shalt  }
0x62: {  	_ =	shalt  }
0x63: {  	_ =	shalt  }
0x64: {  	_ =	shalt  }
0x65: {  	_ =	shalt  }
0x66: {  	_ =	shalt  }
0x67: {  	_ =	shalt  }
0x68: {  	_ =	shalt  }
0x69: {  	_ =	shalt  }
0x6a: {  	_ =	shalt  }
0x6b: {  	_ =	shalt  }
0x6c: {  	_ =	shalt  }
0x6d: {  	_ =	shalt  }
0x6e: {  	_ =	shalt  }
0x6f: {  	_ =	shalt  }
0x70: {  	_ =	shalt  }
0x71: {  	_ =	shalt  }
0x72: {  	_ =	shalt  }
0x73: {  	_ =	shalt  }
0x74: {  	_ =	shalt  }
0x75: {  	_ =	shalt  }
0x76: {  	_ =	shalt  }
0x77: {  	_ =	shalt  }
0x78: {  	_ =	shalt  }
0x79: {  	_ =	shalt  }
0x7a: {  	_ =	shalt  }
0x7b: {  	_ =	shalt  }
0x7c: {  	_ =	shalt  }
0x7d: {  	_ =	shalt  }
0x7e: {  	_ =	shalt  }
0x7f: {  	_ =	shalt  }
0x80: {  	_ =	shalt  }
0x81: {  	_ =	shalt  }
0x82: {  	_ =	shalt  }
0x83: {  	_ =	shalt  }
0x84: {  	_ =	shalt  }
0x85: {  	_ =	shalt  }
0x86: {  	_ =	shalt  }
0x87: {  	_ =	shalt  }
.Lfunc_end0:
.L_simem_size_0:
called_computation_lowered:
.L_overlay_start_0:
0x88: {  	s2 =	sld [smem:$0x3FD9]  }
0x89: {  	s3 =	sld [smem:$0x3FFE];
	_ =	sdelay $0x1  }
0x8a: {  	s1 =	srdreg.scid  }
0x8b: {  	s0 =	sand.u32 $0x1, s1  }
0x8c: {  	s17 =	sshll.u32 s0, $0xA;
	s2 =	sadd.s32 s3, s2  }
0x8d: {  	s2 =	sadd.s32 s2, s17  }
0x8e: {  	[smem:$0x3FC4] =	sst s2  }
0x8f: {  	_ = 	snop  }
0x90: {  	s2 =	sld [smem:$0x3FD0];
	(tm) =	ssettm $0x1  }
0x91: {  	s18 =	sld [smem:$0x3FFB];
	_ =	sdelay $0x3  }
0x92: {  	_ =	strace s18  }
0x93: {  	s3 =	sld [smem:$0x3FFC];
	_ =	sdelay $0x3  }
0x94: {  	_ =	strace s3  }
0x95: {  	s3 =	sld [smem:$0x3FFD];
	_ =	sdelay $0x3  }
0x96: {  	_ =	strace s3  }
0x97: {  	_ =	strace $0x8FFFFFFF  }
0x98: {  	s19 =	sld [smem:$0x3FDB];
	_ =	sdelay $0x1  }
0x99: {  	s4 =	simm.s32 $_scs_section_size  }
0x9a: {  	s5 =	simm.s32 $_size__tile_overlayer_lowered;
	s6 =	simm.s32 $_tile_overlayer_lowered  }
0x9b: {  	s22 =	simm.s32 $0x1BFF;
	s21 =	sshll.u32 s6, $0x1;
	s3 =	sadd.s32 s4, s19  }
0x9c: {  	s7 =	simm.s32 $0x0;
	s20 =	sshll.u32 s5, $0x1;
	s5 =	sadd.s32 s21, s3  }
0x9d: {  	[timem:s7], [sflag:s22] =	dma.local [hbm:s5], s20  }
0x9e: {  	_ =	swait.ge [sflag:s22], s20  }
0x9f: {  	s4 =	ssub.s32 $0x0, s20;
	[sflag:s22] =	ssyncset.done $0x0  }
0xa0: {  	[sflag:s22] =	ssyncadd.s32 s4;
	_ =	sdelay $0x1  }
0xa1: {  	s23 =	simm.s32 $0x1B8B  }
0xa2: {  	_ =	swait.ge [sflag:s23], $0x1  }
0xa3: {  	[sflag:s23] =	ssyncset.done $0x0  }
0xa4: {  	s25 =	simm.s32 $0x1B8E;
	s24 =	sld [smem:$0x3FFE];
	[sflag:s23] =	ssyncadd.s32 $0xFFFFFFFF  }
0xa5: {  	s26 =	simm.s32 $execute0_lowered;
	[smem:$0x3FD2] =	sst s25  }
0xa6: {  	s5 =	sshll.u32 s26, $0x1;
	_ =	strace $0x80000046;
	[dreg:$0x1] =	wrdreg $0xFFFFFFFF  }
0xa7: {  	s28 =	simm.s32 $_size_execute0_lowered;
	s3 =	sadd.s32 s3, s5;
	[dreg:$0x0] =	wrdreg $0x0  }
0xa8: {  	s5 =	sshll.u32 s28, $0x1;
	[dreg:$0x2] =	wrdreg s3  }
0xa9: {  	[dreg:$0x3] =	wrdreg s5  }
0xaa: {  	[dreg:$0x4] =	wrdreg $0xC0  }
0xab: {  	_ =	task [dreg:s7], $0x5FFFF  }
0xac: {  	[dreg:$0x1] =	wrdreg $0xFFFFFFFF  }
0xad: {  	[dreg:$0x0] =	wrdreg $0x60  }
0xae: {  	[dreg:$0x2] =	wrdreg s24  }
0xaf: {  	[dreg:$0x3] =	wrdreg s2  }
0xb0: {  	[dreg:$0x4] =	wrdreg $0x2B000  }
0xb1: {  	[dreg:$0x5] =	wrdreg $0x9  }
0xb2: {  	_ =	task.clear_ibuf [dreg:s7], $0x6FFFF;
	_ =	strace $0x90000046  }
0xb3: {  	s29 =	simm.s32 $0x9;
	_ =	strace $0x80000048  }
0xb4: {  	_ =	swait.ge [sflag:s29], $0x1  }
0xb5: {  	[sflag:s29] =	ssyncadd.s32 $0xFFFFFFFF  }
0xb6: {  	_ =	strace $0x90000048  }
0xb7: {  	_ =	sfence  }
0xb8: {  	s30 =	sld [smem:$0x0];
	_ =	sdelay $0x2  }
0xb9: {  	s31 =	sshll.u32 s1, $0xD;
	s1 =	sshrl.u32 s1, $0x2  }
0xba: {  	s3 =	sand.u32 $0x4000, s31;
	s1 =	sadd.s32 s1, s30  }
0xbb: {  	s0 =	sor.u32 s3, s0;
	s1 =	sshll.u32 s1, $0x11  }
0xbc: {  	s0 =	sor.u32 s1, s0  }
0xbd: {  	s0 =	sadd.s32 $0x8F2B, s0  }
0xbe: {  	[sflag:s0] =	ssyncadd.remote.s32 $0x1  }
0xbf: {  	_ =	sfence.sel $0xFFFF  }
0xc0: {  	[dreg:$0x0] =	wrdreg $0xFFFFFFFF;
	(pc) =	sbr.abs _section_cstart, $3  }
0xc1: {  	[dreg:$0x1] =	wrdreg $0xFFFFFFFF  }
0xc2: {  	_ =	task.clear_ibuf [dreg:s7], $0x2FFFF;
	_ =	strace $0x9FFFFFFF  }
0xc3: {  	(tm) =	ssettm $0x7FFFFFFF  }
tec
execute0_lowered:
.L_overlay_start_1:
0x0: {  	(tag) =	ssettag $0x1  }
0x1: {  	s5 =	rddreg [dreg:$0x0]  }
0x2: {  	s2 =	rddreg [dreg:$0x1]  }
0x3: {  	s3 =	rddreg [dreg:$0x2];
	s4 =	srdreg.scid  }
0x4: {  	s0 =	rddreg [dreg:$0x3];
	s1 =	stileid.u32;
	s12 =	simm.s32 $0x2800  }
0x5: {  	s13 =	simm.s32 $0x80;
	s14 =	simm.s32 $0x400;
	s15 =	simm.s32 $0x0  }
0x6: {  	s6 =	sand.u32 $0x1, s4;
	s7 =	sshll.u32 s1, $0x1;
	s11 =	smul.u32 $0x278, s1  }
0x7: {  	s9 =	sshrl.u32 s1, $0x3;
	s4 =	simm.s32 $0x0;
	s8 =	smul.u32 $0x2800, s6  }
0x8: {  	s10 =	sshll.u32 s1, $0x7;
	s7 =	sor.u32 s6, s7;
	s9 =	smul.u32 $0x1400, s9  }
0x9: {  	[smem:$0x7FF] =	sst s4;
	s28 =	sand.u32 $0x380, s10;
	s6 =	ssub.s32 $0x2, s6  }
0xa: {  	s10 =	simm.s32 $0x2880;
	s7 =	smul.u32 $0x500, s7;
	_ =	strace $0x80000047  }
0xb: {  	s29 =	sshrl.u32 s11, $0x3;
	s30 =	sshrl.u32 s6, $0x1;
	s8 =	sadd.s32 s8, s9  }
0xc: {  	s9 =	sadd.s32 s29, s5;
	s31 =	ssub.s32 s6, s30;
	s8 =	sor.u32 s28, s8  }
0xd: {  	s6 =	sadd.s32 s11, s3;
	s7 =	sadd.s32 s7, s5;
	s8 =	sshrl.u32 s8, $0x3  }
0xe: {  	s11 =	simm.s32 $0x1;
	s7 =	sadd.s32 $0x1400, s7;
	s8 =	sadd.s32 s8, s5  }
0xf: {  	s5 =	sadd.s32 $0x15400, s9;
	s9 =	smax.u32 s31, $0x1;
	s8 =	sadd.s32 $0x15A00, s8  }
.LBB2_1:
0x10: {  	[tilespmem:s10], [sflag:$0x1] =	stream.linear.gather [hbm4b:s5+s4], $0x278, $0x38;
	[tilespmem:$0x2D78] =	vst v63  }
0x11: {  	_ =	swait.ge [sflag:s11], $0x278  }
0x12: {  	[sflag:s11] =	ssyncset.done $0x0  }
0x13: {  	[sflag:s11] =	ssyncadd.s32 $0xFFFFFD88  }
0x14: {  	[spmem:s6] =	stream.linear.scatter [tilespmem:s10], [sflag:$0x1], $0x278, $0x38;
	[tilespmem:$0x2D78] =	vst v63  }
0x15: {  	_ =	swait.ge [sflag:s11], $0x278  }
0x16: {  	[sflag:s11] =	ssyncset.done $0x0  }
0x17: {  	[sflag:s11] =	ssyncadd.s32 $0xFFFFFD88  }
0x18: {  	[tilespmem:s12], [sflag:$0x1] =	stream.linear.gather [hbm4b:s2+s4], $0x80, $0x38;
	[tilespmem:$0x2D78] =	vst v63  }
0x19: {  	_ =	swait.ge [sflag:s11], $0x80  }
0x1a: {  	[sflag:s11] =	ssyncset.done $0x0  }
0x1b: {  	[sflag:s11] =	ssyncadd.s32 $0xFFFFFF80  }
0x1c: {  	[tilespmem:s4], [sflag:$0x1] =	stream.linear.gather [hbm4b:s7+s4], $0x2800, $0x38;
	[tilespmem:$0x2D78] =	vst v63  }
0x1d: {  	_ =	swait.ge [sflag:s11], $0x2800  }
0x1e: {  	[sflag:s11] =	ssyncset.done $0x0  }
0x1f: {  	[sflag:s11] =	ssyncadd.s32 $0xFFFFD800  }
0x20: {  	s16 =	simm.s32 $0x0;
	[bflag:$0x0] =	sbarrier.arrive $0xFFFF  }
0x21: {  	[spmem:s3] =	stream.indirect.scatter.add.f32 [tilespmem:s12], [sflag:$0x1], $0x1, s16, s13, $0xb8;
	[tilespmem:$0x2D78] =	vst v63  }
0x22: {  	_ =	swait.ge [sflag:s11], $0x80  }
0x23: {  	s16 =	simm.s32 $0x200;
	[sflag:s11] =	ssyncset.done $0x0  }
.LBB2_2:
0x24: {  	s17 =	sshra.s32 s16, $0x2;
	[sflag:s11] =	ssyncadd.s32 $0xFFFFFF80;
	p0 =	sne.s32 s16, $0x9E00  }
0x25: {  	[spmem:s3] =	stream.indirect.scatter.add.f32 [tilespmem:s12], [sflag:$0x1], $0x1, s17, s13, $0xb8;
	[tilespmem:$0x2D78] =	vst v63  }
.Ltmp0:
0x26: {  	_ = 	snop;
	(pc) =	sbr.rel @p0 .LBB2_2-.Ltmp0, $4  }
0x27: {  	_ = 	snop  }
0x28: {  	s16 =	sadd.s32 $0x200, s16  }
0x29: {  	_ =	swait.ge [sflag:s11], $0x80  }
0x2a: {  	[sflag:s11] =	ssyncset.done $0x0  }
0x2b: {  	[sflag:s11] =	ssyncadd.s32 $0xFFFFFF80  }
0x2c: {  	[bflag:$0x0] =	sbarrier.arrive $0xFFFF  }
0x2d: {  	[tilespmem:s10], [sflag:$0x1] =	stream.linear.gather [spmem:s6], $0x278, $0x38;
	[tilespmem:$0x2D78] =	vst v63  }
0x2e: {  	s15 =	sadd.s32 $0x1, s15;
	_ =	swait.ge [sflag:s11], $0x278  }
0x2f: {  	p0 =	sne.s32 s15, s9;
	[sflag:s11] =	ssyncset.done $0x0  }
.Ltmp1:
0x30: {  	[sflag:s11] =	ssyncadd.s32 $0xFFFFFD88;
	(pc) =	sbr.rel @p0 .LBB2_1-.Ltmp1, $4  }
0x31: {  	[hbm4b:s8+s13] =	stream.strided.scatter [tilespmem:s10], [sflag:$0x1], $0x280, s14, s13, $0x38;
	[tilespmem:$0x2D78] =	vst v63  }
0x32: {  	_ =	swait.ge [sflag:s11], $0x280  }
0x33: {  	[sflag:s11] =	ssyncset.done $0x0  }
0x34: {  	[sflag:s11] =	ssyncadd.s32 $0xFFFFFD80  }
0x35: {  	_ =	sfence.sel $0x180000  }
0x36: {  	[bflag:$0x0] =	sbarrier.arrive $0xFFFF  }
0x37: {  	p0 =	sne.s32 s1, $0x0;
	_ =	strace $0x90000047  }
0x38: {  	s0 =	sadd.s32 @!p0 $0x100000, s0;
	[bflag:$0x2] =	sbarrier.arrive $0xFFFF  }
0x39: {  	[sflag:s0] =	ssyncadd.tile.s32 @!p0 $0x1;
	_ =	shalt  }
.Lfunc_end2:
_tile_overlayer_lowered:
.L_overlay_start_2:
0x3a: {  	(tag) =	ssettag $0x2  }
0x3b: {  	s0 =	rddreg [dreg:$0x0];
	s2 =	stileid.u32  }
0x3c: {  	s1 =	rddreg [dreg:$0x1];
	p0 =	sne.s32 s2, $0x0  }
0x3d: {  	s3 =	rddreg [dreg:$0x2];
	[bflag:$0x3] =	sbarrier.arrive $0xFFFF;
	s2 =	simm.s32 @!p0 $0x1C01  }
0x3e: {  	[timem:s3], [sflag:s2] =	dma.local @!p0 [hbm:s0], s1  }
0x3f: {  	s0 =	simm.s32 @!p0 $0x1  }
0x40: {  	_ =	swait.ge @!p0 [sflag:s0], s1  }
0x41: {  	s1 =	ssub.s32 @!p0 $0x0, s1;
	[sflag:s0] =	ssyncset.done @!p0 $0x0  }
0x42: {  	[sflag:s0] =	ssyncadd.s32 @!p0 s1  }
0x43: {  	[bflag:$0x3] =	sbarrier.arrive $0xFFFF  }
0x44: {  	_ =	shalt  }

// kernel: sc_gs32.3.cloned.1.call-start
scs
__scs_entry_jumppad:
0x0: {  	(pc) =	sbr.rel $0x88, $3  }
0x1: {  	(tag) =	ssettag $0x0;
	lr =	simm.s32 $0x1  }
0x2: {  	[smem:$0x3F9D] =	sst lr;
	_ =	strace $0xD0000000  }
0x3: {  	_ = 	snop  }
0x4: {  	_ = 	snop  }
0x5: {  	_ = 	snop  }
0x6: {  	_ = 	snop  }
0x7: {  	_ = 	snop  }
__scs_overlays_trampoline_lowered:
0x8: {  	[smem:$0x3FAC] =	sst s0  }
0x9: {  	[smem:$0x3FAD] =	sst s1  }
0xa: {  	[smem:$0x3FAE] =	sst s2  }
0xb: {  	[smem:$0x3FAF] =	sst s3  }
0xc: {  	[smem:$0x3FB0] =	sst s4  }
0xd: {  	[smem:$0x3FB1] =	sst s5  }
0xe: {  	[smem:$0x3FB2] =	sst s6  }
0xf: {  	[smem:$0x3FB3] =	sst s7  }
0x10: {  	[smem:$0x3FB4] =	sst s8  }
0x11: {  	[smem:$0x3FB5] =	sst s9;
	s0 =	simm.s32 @!p0 $0x0  }
0x12: {  	s1 =	sld [smem:$0x3F9B];
	s0 =	simm.s32 @p0 $0x1  }
0x13: {  	[smem:$0x3FB6] =	sst s0;
	s0 =	simm.s32 @!p1 $0x0  }
0x14: {  	s2 =	sld [smem:$0x3F9A];
	s0 =	simm.s32 @p1 $0x1  }
0x15: {  	[smem:$0x3FB7] =	sst s0;
	s0 =	simm.s32 @!p2 $0x0  }
0x16: {  	s3 =	sld [smem:$0x3FDB];
	s0 =	simm.s32 @p2 $0x1  }
0x17: {  	s4 =	simm.s32 $0x1BF5;
	[smem:$0x3FB9] =	sst s0  }
0x18: {  	s0 =	sld [smem:$0x3F9C];
	_ =	swait.ge [sflag:s4], $0x0  }
0x19: {  	s7 =	sld [smem:$0x3F9D]  }
0x1a: {  	s8 =	sadd.s32 $0xFFFFE003, lr  }
0x1b: {  	s9 =	sadd.s32 $0xFFFFFEF7, lr;
	s5 =	simm.s32 $0xFFFFFFFF;
	p2 =	slt.u32 s8, $0xFFFFF086  }
0x1c: {  	p1 =	slt.u32 s9, $0xF7A;
	s5 =	simm.s32 @!p2 $0x0  }
0x1d: {  	s5 =	simm.s32 @p1 $0x1;
	p0 =	seq.s32 s7, s2  }
0x1e: {  	s7 =	smul.u32 @!p0 $0xF7A, s2;
	p2 =	seq.s32 @!p0 s5, $0x0  }
0x1f: {  	s9 =	smul.u32 $0xF7A, s1;
	s8 =	simm.s32 @!p0 $0x1BF5;
	p2 =	por !p2, p0  }
0x20: {  	[sflag:s8] =	ssyncset.s32 @!p0 $0xFFFFF086;
	s6 =	sadd.s32 @!p0 s3, s7;
	s7 =	simm.s32 @!p0 $0x108  }
0x21: {  	s3 =	sadd.s32 s3, s9;
	s6 =	sadd.s32 @!p0 $0x88, s6;
	s7 =	simm.s32 @p2 $0x1082  }
0x22: {  	[simem:s7], [sflag:s8] =	dma.local @!p0 [hbm:s6], $0xF7A  }
0x23: {  	s9 =	sor.u32 $0xD0000000, s2;
	s6 =	simm.s32 $0x108;
	_ =	swait.ge @!p0 [sflag:s8], $0x0  }
0x24: {  	s3 =	sadd.s32 $0x88, s3;
	s6 =	simm.s32 @!p1 $0x1082;
	[sflag:s4] =	ssyncset.s32 $0xFFFFF086  }
0x25: {  	[simem:s6], [sflag:s4] =	dma.local [hbm:s3], $0xF7A  }
0x26: {  	[smem:$0x3F9D] =	sst s1;
	(tag) =	ssettag s2;
	_ =	strace s9  }
0x27: {  	s1 =	sld [smem:$0x3FAD]  }
0x28: {  	s2 =	sld [smem:$0x3FAE]  }
0x29: {  	s4 =	sld [smem:$0x3FB0]  }
0x2a: {  	p0 =	seq.s32 s5, $0x0;
	s5 =	sld [smem:$0x3FB1]  }
0x2b: {  	s6 =	sld [smem:$0x3FB2]  }
0x2c: {  	s7 =	sld [smem:$0x3FB3]  }
0x2d: {  	s3 =	simm.s32 $0x108;
	s8 =	sld [smem:$0x3FB4]  }
0x2e: {  	s3 =	simm.s32 @!p0 $0x1082;
	s9 =	sld [smem:$0x3FB5]  }
0x2f: {  	lr =	sadd.s32 s0, s3;
	s0 =	sld [smem:$0x3FAC]  }
0x30: {  	s3 =	sld [smem:$0x3FAF]  }
0x31: {  	[smem:$0x3FB8] =	sst s10  }
0x32: {  	s10 =	sld [smem:$0x3FB6];
	_ =	sdelay $0x3  }
0x33: {  	p0 =	seq.s32 s10, $0x1;
	s10 =	sld [smem:$0x3FB8];
	_ =	sdelay $0x3  }
0x34: {  	[smem:$0x3FB8] =	sst s10  }
0x35: {  	s10 =	sld [smem:$0x3FB7];
	_ =	sdelay $0x3  }
0x36: {  	p1 =	seq.s32 s10, $0x1;
	s10 =	sld [smem:$0x3FB8];
	_ =	sdelay $0x3  }
0x37: {  	[smem:$0x3FB8] =	sst s10  }
0x38: {  	s10 =	sld [smem:$0x3FB9]  }
0x39: {  	_ = 	snop;
	(pc) =	sbr.ind lr, $3  }
0x3a: {  	_ = 	snop  }
0x3b: {  	_ = 	snop  }
0x3c: {  	p2 =	seq.s32 s10, $0x1;
	s10 =	sld [smem:$0x3FB8]  }
0x3d: {  	_ =	shalt  }
0x3e: {  	_ =	shalt  }
0x3f: {  	_ =	shalt  }
0x40: {  	_ =	shalt  }
0x41: {  	_ =	shalt  }
0x42: {  	_ =	shalt  }
0x43: {  	_ =	shalt  }
0x44: {  	_ =	shalt  }
0x45: {  	_ =	shalt  }
0x46: {  	_ =	shalt  }
0x47: {  	_ =	shalt  }
0x48: {  	_ =	shalt  }
0x49: {  	_ =	shalt  }
0x4a: {  	_ =	shalt  }
0x4b: {  	_ =	shalt  }
0x4c: {  	_ =	shalt  }
0x4d: {  	_ =	shalt  }
0x4e: {  	_ =	shalt  }
0x4f: {  	_ =	shalt  }
0x50: {  	_ =	shalt  }
0x51: {  	_ =	shalt  }
0x52: {  	_ =	shalt  }
0x53: {  	_ =	shalt  }
0x54: {  	_ =	shalt  }
0x55: {  	_ =	shalt  }
0x56: {  	_ =	shalt  }
0x57: {  	_ =	shalt  }
0x58: {  	_ =	shalt  }
0x59: {  	_ =	shalt  }
0x5a: {  	_ =	shalt  }
0x5b: {  	_ =	shalt  }
0x5c: {  	_ =	shalt  }
0x5d: {  	_ =	shalt  }
0x5e: {  	_ =	shalt  }
0x5f: {  	_ =	shalt  }
0x60: {  	_ =	shalt  }
0x61: {  	_ =	shalt  }
0x62: {  	_ =	shalt  }
0x63: {  	_ =	shalt  }
0x64: {  	_ =	shalt  }
0x65: {  	_ =	shalt  }
0x66: {  	_ =	shalt  }
0x67: {  	_ =	shalt  }
0x68: {  	_ =	shalt  }
0x69: {  	_ =	shalt  }
0x6a: {  	_ =	shalt  }
0x6b: {  	_ =	shalt  }
0x6c: {  	_ =	shalt  }
0x6d: {  	_ =	shalt  }
0x6e: {  	_ =	shalt  }
0x6f: {  	_ =	shalt  }
0x70: {  	_ =	shalt  }
0x71: {  	_ =	shalt  }
0x72: {  	_ =	shalt  }
0x73: {  	_ =	shalt  }
0x74: {  	_ =	shalt  }
0x75: {  	_ =	shalt  }
0x76: {  	_ =	shalt  }
0x77: {  	_ =	shalt  }
0x78: {  	_ =	shalt  }
0x79: {  	_ =	shalt  }
0x7a: {  	_ =	shalt  }
0x7b: {  	_ =	shalt  }
0x7c: {  	_ =	shalt  }
0x7d: {  	_ =	shalt  }
0x7e: {  	_ =	shalt  }
0x7f: {  	_ =	shalt  }
0x80: {  	_ =	shalt  }
0x81: {  	_ =	shalt  }
0x82: {  	_ =	shalt  }
0x83: {  	_ =	shalt  }
0x84: {  	_ =	shalt  }
0x85: {  	_ =	shalt  }
0x86: {  	_ =	shalt  }
0x87: {  	_ =	shalt  }
.Lfunc_end0:
.L_simem_size_0:
called_computation.2_lowered:
.L_overlay_start_0:
0x88: {  	s2 =	sld [smem:$0x3FD9]  }
0x89: {  	s3 =	sld [smem:$0x3FFE];
	_ =	sdelay $0x1  }
0x8a: {  	s1 =	srdreg.scid  }
0x8b: {  	s0 =	sand.u32 $0x1, s1  }
0x8c: {  	s16 =	sshll.u32 s0, $0xA;
	s2 =	sadd.s32 s3, s2  }
0x8d: {  	s2 =	sadd.s32 s2, s16  }
0x8e: {  	[smem:$0x3FC4] =	sst s2  }
0x8f: {  	_ = 	snop  }
0x90: {  	(tm) =	ssettm $0x1  }
0x91: {  	s17 =	sld [smem:$0x3FFB];
	_ =	sdelay $0x3  }
0x92: {  	_ =	strace s17  }
0x93: {  	s2 =	sld [smem:$0x3FFC];
	_ =	sdelay $0x3  }
0x94: {  	_ =	strace s2  }
0x95: {  	s2 =	sld [smem:$0x3FFD];
	_ =	sdelay $0x3  }
0x96: {  	_ =	strace s2  }
0x97: {  	_ =	strace $0x8FFFFFFF  }
0x98: {  	s18 =	sld [smem:$0x3FDB];
	_ =	sdelay $0x1  }
0x99: {  	s19 =	simm.s32 $_scs_section_size  }
0x9a: {  	s4 =	simm.s32 $_size__tile_overlayer_lowered;
	s5 =	simm.s32 $_tile_overlayer_lowered  }
0x9b: {  	s22 =	simm.s32 $0x1BFF;
	s21 =	sshll.u32 s5, $0x1;
	s2 =	sadd.s32 s19, s18  }
0x9c: {  	s6 =	simm.s32 $0x0;
	s20 =	sshll.u32 s4, $0x1;
	s4 =	sadd.s32 s21, s2  }
0x9d: {  	[timem:s6], [sflag:s22] =	dma.local [hbm:s4], s20  }
0x9e: {  	_ =	swait.ge [sflag:s22], s20  }
0x9f: {  	s3 =	ssub.s32 $0x0, s20;
	[sflag:s22] =	ssyncset.done $0x0  }
0xa0: {  	[sflag:s22] =	ssyncadd.s32 s3;
	_ =	sdelay $0x1  }
0xa1: {  	s23 =	simm.s32 $0x1B8B  }
0xa2: {  	_ =	swait.ge [sflag:s23], $0x1  }
0xa3: {  	[sflag:s23] =	ssyncset.done $0x0  }
0xa4: {  	s25 =	simm.s32 $0x1B8E;
	s24 =	sld [smem:$0x3FFE];
	[sflag:s23] =	ssyncadd.s32 $0xFFFFFFFF  }
0xa5: {  	s26 =	simm.s32 $execute0_lowered;
	[smem:$0x3FD2] =	sst s25  }
0xa6: {  	s4 =	sshll.u32 s26, $0x1;
	_ =	strace $0x8000004C;
	[dreg:$0x1] =	wrdreg $0xFFFFFFFF  }
0xa7: {  	s28 =	simm.s32 $_size_execute0_lowered;
	s2 =	sadd.s32 s2, s4;
	[dreg:$0x0] =	wrdreg $0x0  }
0xa8: {  	s4 =	sshll.u32 s28, $0x1;
	[dreg:$0x2] =	wrdreg s2  }
0xa9: {  	[dreg:$0x3] =	wrdreg s4  }
0xaa: {  	[dreg:$0x4] =	wrdreg $0xC0  }
0xab: {  	_ =	task [dreg:s6], $0x5FFFF  }
0xac: {  	[dreg:$0x1] =	wrdreg $0xFFFFFFFF  }
0xad: {  	[dreg:$0x0] =	wrdreg $0x60  }
0xae: {  	[dreg:$0x2] =	wrdreg s24  }
0xaf: {  	[dreg:$0x3] =	wrdreg $0xE7000  }
0xb0: {  	[dreg:$0x4] =	wrdreg $0x9  }
0xb1: {  	_ =	task.clear_ibuf [dreg:s6], $0x5FFFF;
	_ =	strace $0x9000004C  }
0xb2: {  	s29 =	simm.s32 $0x9;
	_ =	strace $0x8000004E  }
0xb3: {  	_ =	swait.ge [sflag:s29], $0x1  }
0xb4: {  	[sflag:s29] =	ssyncadd.s32 $0xFFFFFFFF  }
0xb5: {  	_ =	strace $0x9000004E  }
0xb6: {  	_ =	sfence  }
0xb7: {  	s30 =	sld [smem:$0x0];
	_ =	sdelay $0x2  }
0xb8: {  	s31 =	sshll.u32 s1, $0xD;
	s1 =	sshrl.u32 s1, $0x2  }
0xb9: {  	s3 =	sand.u32 $0x4000, s31;
	s1 =	sadd.s32 s1, s30  }
0xba: {  	s0 =	sor.u32 s3, s0;
	s1 =	sshll.u32 s1, $0x11  }
0xbb: {  	s0 =	sor.u32 s1, s0  }
0xbc: {  	s0 =	sadd.s32 $0x8F2B, s0  }
0xbd: {  	[sflag:s0] =	ssyncadd.remote.s32 $0x1  }
0xbe: {  	_ =	sfence.sel $0xFFFF  }
0xbf: {  	[dreg:$0x0] =	wrdreg $0xFFFFFFFF;
	(pc) =	sbr.abs _section_cstart, $3  }
0xc0: {  	[dreg:$0x1] =	wrdreg $0xFFFFFFFF  }
0xc1: {  	_ =	task.clear_ibuf [dreg:s6], $0x2FFFF;
	_ =	strace $0x9FFFFFFF  }
0xc2: {  	(tm) =	ssettm $0x7FFFFFFF  }
0xc3: {  	_ =	shalt  }
tec
execute0_lowered:
.L_overlay_start_1:
0x0: {  	(tag) =	ssettag $0x1  }
0x1: {  	s5 =	rddreg [dreg:$0x0]  }
0x2: {  	s2 =	rddreg [dreg:$0x1]  }
0x3: {  	s0 =	rddreg [dreg:$0x2]  }
0x4: {  	s3 =	simm.s32 $0x0;
	s1 =	stileid.u32;
	s4 =	srdreg.scid  }
0x5: {  	s16 =	simm.s32 $0x80;
	s17 =	simm.s32 $0x7800;
	s18 =	simm.s32 $0x8800  }
0x6: {  	s19 =	simm.s32 $0x1;
	s20 =	simm.s32 $0x2;
	s21 =	simm.s32 $0x0  }
0x7: {  	[smem:$0x7FF] =	sst s3;
	s6 =	smul.u32 $0x4F00, s1;
	s7 =	sand.u32 $0x1, s4  }
0x8: {  	s4 =	sadd.s32 $0x1400, s5;
	s9 =	sadd.s32 $0x16400, s5;
	s14 =	smul.u32 $0x5000, s1  }
0x9: {  	s10 =	sadd.s32 $0xB400, s5;
	s30 =	smul.u32 $0xA00, s1;
	_ =	strace $0x8000004D  }
0xa: {  	s8 =	smul.u32 $0x4F000, s7;
	s12 =	ssub.s32 $0x2, s7;
	p0 =	seq.s32 s7, $0x1  }
0xb: {  	s11 =	sshrl.u32 s6, $0x3;
	s13 =	sshrl.u32 s12, $0x1;
	s31 =	sshrl.u32 s14, $0x3  }
0xc: {  	s7 =	sadd.s32 s9, s30;
	s14 =	simm.s32 $0x3;
	s8 =	sadd.s32 s6, s8  }
.Ltmp0:
0xd: {  	s11 =	sadd.s32 s11, s5;
	s12 =	ssub.s32 s12, s13;
	(pc) =	sbr.rel .LBB2_1-.Ltmp0, $4  }
0xe: {  	s6 =	sadd.s32 s6, s2;
	s13 =	simm.s32 $0x9800;
	s8 =	sshrl.u32 s8, $0x3  }
0xf: {  	s15 =	sadd.s32 s8, s5;
	s5 =	sadd.s32 $0x20400, s11;
	s11 =	sadd.s32 $0x780, s31  }
0x10: {  	s12 =	smax.u32 s12, $0x1;
	s8 =	sadd.s32 s10, s30;
	s9 =	sadd.s32 s9, s11  }
0x11: {  	s10 =	sadd.s32 s10, s11;
	s11 =	sadd.s32 $0x2A200, s15;
	s15 =	simm.s32 $0x3C00  }
.LBB2_4:
0x12: {  	[tilespmem:s18], [sflag:$0x2] =	stream.indirect.gather [hbm4b:s4+s16], $0x20, s23, s16, $0xb8;
	[tilespmem:$0x13600] =	vst v63  }
0x13: {  	s22 =	simm.s32 $0x7780;
	s23 =	simm.s32 $0x7700  }
.LBB2_8:
0x14: {  	_ =	swait.ge [sflag:s19], $0x1000  }
0x15: {  	[sflag:s19] =	ssyncset.done $0x0  }
0x16: {  	[sflag:s19] =	ssyncadd.s32 $0xFFFFF000  }
0x17: {  	[spmem:s2] =	stream.indirect.scatter.add.f32 [tilespmem:s17], [sflag:$0x3], $0x20, s23, s16, $0xb8;
	[tilespmem:$0x13600] =	vst v63  }
0x18: {  	_ =	swait.ge [sflag:s14], $0x1000  }
0x19: {  	[sflag:s14] =	ssyncset.done $0x0  }
0x1a: {  	[sflag:s14] =	ssyncadd.s32 $0xFFFFF000  }
0x1b: {  	_ =	swait.ge [sflag:s20], $0x1000  }
0x1c: {  	[sflag:s20] =	ssyncset.done $0x0  }
0x1d: {  	[sflag:s20] =	ssyncadd.s32 $0xFFFFF000  }
0x1e: {  	[spmem:s2] =	stream.indirect.scatter.add.f32 [tilespmem:s18], [sflag:$0x3], $0x20, s22, s16, $0xb8;
	[tilespmem:$0x13600] =	vst v63  }
0x1f: {  	_ =	swait.ge [sflag:s14], $0x1000  }
0x20: {  	[sflag:s14] =	ssyncset.done $0x0  }
0x21: {  	[sflag:s14] =	ssyncadd.s32 $0xFFFFF000  }
0x22: {  	[bflag:$0x0] =	sbarrier.arrive $0xFFFF  }
0x23: {  	[tilespmem:s13], [sflag:$0x3] =	stream.linear.gather [spmem:s6], $0x4F00, $0x38;
	[tilespmem:$0x13600] =	vst v63  }
0x24: {  	s21 =	sadd.s32 $0x1, s21;
	_ =	swait.ge [sflag:s14], $0x4F00  }
0x25: {  	p1 =	sne.s32 s21, s12;
	[sflag:s14] =	ssyncset.done $0x0  }
.Ltmp1:
0x26: {  	[sflag:s14] =	ssyncadd.s32 $0xFFFFB100;
	(pc) =	sbr.rel @!p1 .LBB2_9-.Ltmp1, $4  }
0x27: {  	[hbm4b:s11+s3] =	stream.linear.scatter [tilespmem:s13], [sflag:$0x3], $0x4F00, $0x38;
	[tilespmem:$0x13600] =	vst v63  }
0x28: {  	_ =	swait.ge [sflag:s14], $0x4F00  }
0x29: {  	[sflag:s14] =	ssyncset.done $0x0  }
0x2a: {  	[sflag:s14] =	ssyncadd.s32 $0xFFFFB100  }
.LBB2_1:
0x2b: {  	[tilespmem:s13], [sflag:$0x3] =	stream.linear.gather [hbm4b:s5+s3], $0x4F00, $0x38;
	[tilespmem:$0x13600] =	vst v63  }
0x2c: {  	_ =	swait.ge [sflag:s14], $0x4F00  }
0x2d: {  	[sflag:s14] =	ssyncset.done $0x0  }
.Ltmp2:
0x2e: {  	[sflag:s14] =	ssyncadd.s32 $0xFFFFB100;
	(pc) =	sbr.rel @!p0 .LBB2_2-.Ltmp2, $4  }
0x2f: {  	[spmem:s6] =	stream.linear.scatter [tilespmem:s13], [sflag:$0x3], $0x4F00, $0x38;
	[tilespmem:$0x13600] =	vst v63  }
0x30: {  	_ =	swait.ge [sflag:s14], $0x4F00  }
0x31: {  	[sflag:s14] =	ssyncset.done $0x0  }
0x32: {  	s22 =	simm.s32 $0x0;
	[sflag:s14] =	ssyncadd.s32 $0xFFFFB100  }
0x33: {  	[tilespmem:s22], [sflag:$0x3] =	stream.linear.gather [hbm4b:s9+s22], $0x1400, $0x38;
	[tilespmem:$0x13600] =	vst v63  }
0x34: {  	_ =	swait.ge [sflag:s14], $0x1400  }
0x35: {  	[sflag:s14] =	ssyncset.done $0x0  }
0x36: {  	[sflag:s14] =	ssyncadd.s32 $0xFFFFEC00  }
0x37: {  	[tilespmem:s15], [sflag:$0x3] =	stream.linear.gather [hbm4b:s10+s22], $0x1400, $0x38;
	[tilespmem:$0x13600] =	vst v63  }
0x38: {  	_ =	swait.ge [sflag:s14], $0x1400  }
0x39: {  	[sflag:s14] =	ssyncset.done $0x0  }
0x3a: {  	[sflag:s14] =	ssyncadd.s32 $0xFFFFEC00  }
0x3b: {  	[tilespmem:s17], [sflag:$0x1] =	stream.indirect.gather [hbm4b:s4+s16], $0x20, s22, s16, $0xb8;
	[tilespmem:$0x13600] =	vst v63  }
0x3c: {  	_ = 	snop  }
0x3d: {  	[tilespmem:s18], [sflag:$0x2] =	stream.indirect.gather [hbm4b:s4+s16], $0x20, s16, s16, $0xb8;
	[tilespmem:$0x13600] =	vst v63  }
0x3e: {  	_ =	swait.ge [sflag:s19], $0x1000  }
0x3f: {  	[sflag:s19] =	ssyncset.done $0x0  }
0x40: {  	s29 =	simm.s32 $0x3C00;
	[sflag:s19] =	ssyncadd.s32 $0xFFFFF000  }
0x41: {  	[spmem:s2] =	stream.indirect.scatter.add.f32 [tilespmem:s17], [sflag:$0x3], $0x20, s29, s16, $0xb8;
	[tilespmem:$0x13600] =	vst v63  }
0x42: {  	_ =	swait.ge [sflag:s14], $0x1000  }
0x43: {  	[sflag:s14] =	ssyncset.done $0x0  }
0x44: {  	s30 =	simm.s32 $0x100;
	[sflag:s14] =	ssyncadd.s32 $0xFFFFF000  }
0x45: {  	[tilespmem:s17], [sflag:$0x1] =	stream.indirect.gather [hbm4b:s4+s16], $0x20, s30, s16, $0xb8;
	[tilespmem:$0x13600] =	vst v63  }
0x46: {  	_ =	swait.ge [sflag:s20], $0x1000  }
0x47: {  	[sflag:s20] =	ssyncset.done $0x0  }
0x48: {  	s31 =	simm.s32 $0x3C80;
	[sflag:s20] =	ssyncadd.s32 $0xFFFFF000  }
0x49: {  	[spmem:s2] =	stream.indirect.scatter.add.f32 [tilespmem:s18], [sflag:$0x3], $0x20, s31, s16, $0xb8;
	[tilespmem:$0x13600] =	vst v63  }
0x4a: {  	_ =	swait.ge [sflag:s14], $0x1000  }
0x4b: {  	[sflag:s14] =	ssyncset.done $0x0  }
0x4c: {  	s23 =	simm.s32 $0x180;
	s22 =	simm.s32 $0x400;
	[sflag:s14] =	ssyncadd.s32 $0xFFFFF000  }
.LBB2_6:
0x4d: {  	[tilespmem:s18], [sflag:$0x2] =	stream.indirect.gather [hbm4b:s4+s16], $0x20, s23, s16, $0xb8;
	[tilespmem:$0x13600] =	vst v63  }
0x4e: {  	s23 =	smov.u32 s22  }
0x4f: {  	p1 =	sne.s32 s22, $0x4800;
	s22 =	sadd.s32 $0x400, s22;
	_ =	swait.ge [sflag:s19], $0x1000  }
0x50: {  	s23 =	sshra.s32 s23, $0x2;
	[sflag:s19] =	ssyncset.done $0x0  }
0x51: {  	s24 =	sadd.s32 $0x3C00, s23;
	[sflag:s19] =	ssyncadd.s32 $0xFFFFF000  }
0x52: {  	[spmem:s2] =	stream.indirect.scatter.add.f32 [tilespmem:s17], [sflag:$0x3], $0x20, s24, s16, $0xb8;
	[tilespmem:$0x13600] =	vst v63  }
0x53: {  	_ =	swait.ge [sflag:s14], $0x1000  }
0x54: {  	[sflag:s14] =	ssyncset.done $0x0  }
0x55: {  	s24 =	sadd.s32 $0x100, s23;
	[sflag:s14] =	ssyncadd.s32 $0xFFFFF000  }
0x56: {  	[tilespmem:s17], [sflag:$0x1] =	stream.indirect.gather [hbm4b:s4+s16], $0x20, s24, s16, $0xb8;
	[tilespmem:$0x13600] =	vst v63  }
0x57: {  	_ =	swait.ge [sflag:s20], $0x1000  }
0x58: {  	[sflag:s20] =	ssyncset.done $0x0  }
.Ltmp3:
0x59: {  	s24 =	sadd.s32 $0x3C80, s23;
	[sflag:s20] =	ssyncadd.s32 $0xFFFFF000;
	(pc) =	sbr.rel @p1 .LBB2_6-.Ltmp3, $4  }
0x5a: {  	[spmem:s2] =	stream.indirect.scatter.add.f32 [tilespmem:s18], [sflag:$0x3], $0x20, s24, s16, $0xb8;
	[tilespmem:$0x13600] =	vst v63  }
0x5b: {  	_ =	swait.ge [sflag:s14], $0x1000  }
0x5c: {  	[sflag:s14] =	ssyncset.done $0x0  }
0x5d: {  	s23 =	sadd.s32 $0x180, s23;
	[sflag:s14] =	ssyncadd.s32 $0xFFFFF000  }
.Ltmp4:
0x5e: {  	(pc) =	sbr.rel .LBB2_8-.Ltmp4, $3  }
0x5f: {  	_ =	sdelay $0x1  }
0x60: {  	[tilespmem:s18], [sflag:$0x2] =	stream.indirect.gather [hbm4b:s4+s16], $0x20, s23, s16, $0xb8;
	[tilespmem:$0x13600] =	vst v63  }
0x61: {  	s22 =	simm.s32 $0x4F80;
	s23 =	simm.s32 $0x4F00  }
.LBB2_2:
0x62: {  	[tilespmem:s22], [sflag:$0x3] =	stream.linear.gather [hbm4b:s7+s22], $0x3C00, $0x38;
	[tilespmem:$0x13600] =	vst v63  }
0x63: {  	_ =	swait.ge [sflag:s14], $0x3C00  }
0x64: {  	[sflag:s14] =	ssyncset.done $0x0  }
0x65: {  	[sflag:s14] =	ssyncadd.s32 $0xFFFFC400  }
0x66: {  	[tilespmem:s15], [sflag:$0x3] =	stream.linear.gather [hbm4b:s8+s22], $0x3C00, $0x38;
	[tilespmem:$0x13600] =	vst v63  }
0x67: {  	_ =	swait.ge [sflag:s14], $0x3C00  }
0x68: {  	[sflag:s14] =	ssyncset.done $0x0  }
0x69: {  	[sflag:s14] =	ssyncadd.s32 $0xFFFFC400  }
0x6a: {  	[tilespmem:s17], [sflag:$0x1] =	stream.indirect.gather [hbm4b:s4+s16], $0x20, s22, s16, $0xb8;
	[tilespmem:$0x13600] =	vst v63  }
0x6b: {  	_ = 	snop  }
0x6c: {  	[tilespmem:s18], [sflag:$0x2] =	stream.indirect.gather [hbm4b:s4+s16], $0x20, s16, s16, $0xb8;
	[tilespmem:$0x13600] =	vst v63  }
0x6d: {  	_ =	swait.ge [sflag:s19], $0x1000  }
0x6e: {  	[sflag:s19] =	ssyncset.done $0x0  }
0x6f: {  	s29 =	simm.s32 $0x3C00;
	[sflag:s19] =	ssyncadd.s32 $0xFFFFF000  }
0x70: {  	[spmem:s2] =	stream.indirect.scatter.add.f32 [tilespmem:s17], [sflag:$0x3], $0x20, s29, s16, $0xb8;
	[tilespmem:$0x13600] =	vst v63  }
0x71: {  	_ =	swait.ge [sflag:s14], $0x1000  }
0x72: {  	[sflag:s14] =	ssyncset.done $0x0  }
0x73: {  	s30 =	simm.s32 $0x100;
	[sflag:s14] =	ssyncadd.s32 $0xFFFFF000  }
0x74: {  	[tilespmem:s17], [sflag:$0x1] =	stream.indirect.gather [hbm4b:s4+s16], $0x20, s30, s16, $0xb8;
	[tilespmem:$0x13600] =	vst v63  }
0x75: {  	_ =	swait.ge [sflag:s20], $0x1000  }
0x76: {  	p1 =	por $0x0, $0x0;
	[sflag:s20] =	ssyncset.done $0x0  }
.Ltmp5:
0x77: {  	s31 =	simm.s32 $0x3C80;
	[sflag:s20] =	ssyncadd.s32 $0xFFFFF000;
	(pc) =	sbr.rel @p1 .LBB2_4-.Ltmp5, $4  }
0x78: {  	[spmem:s2] =	stream.indirect.scatter.add.f32 [tilespmem:s18], [sflag:$0x3], $0x20, s31, s16, $0xb8;
	[tilespmem:$0x13600] =	vst v63  }
0x79: {  	_ =	swait.ge [sflag:s14], $0x1000  }
0x7a: {  	[sflag:s14] =	ssyncset.done $0x0  }
0x7b: {  	s23 =	simm.s32 $0x180;
	s22 =	simm.s32 $0x400;
	[sflag:s14] =	ssyncadd.s32 $0xFFFFF000  }
.LBB2_3:
0x7c: {  	[tilespmem:s18], [sflag:$0x2] =	stream.indirect.gather [hbm4b:s4+s16], $0x20, s23, s16, $0xb8;
	[tilespmem:$0x13600] =	vst v63  }
0x7d: {  	s23 =	smov.u32 s22  }
0x7e: {  	p1 =	seq.s32 s22, $0xE800;
	s22 =	sadd.s32 $0x400, s22;
	_ =	swait.ge [sflag:s19], $0x1000  }
0x7f: {  	s23 =	sshra.s32 s23, $0x2;
	[sflag:s19] =	ssyncset.done $0x0  }
0x80: {  	s24 =	sadd.s32 $0x3C00, s23;
	[sflag:s19] =	ssyncadd.s32 $0xFFFFF000  }
0x81: {  	[spmem:s2] =	stream.indirect.scatter.add.f32 [tilespmem:s17], [sflag:$0x3], $0x20, s24, s16, $0xb8;
	[tilespmem:$0x13600] =	vst v63  }
0x82: {  	_ =	swait.ge [sflag:s14], $0x1000  }
0x83: {  	[sflag:s14] =	ssyncset.done $0x0  }
0x84: {  	s24 =	sadd.s32 $0x100, s23;
	[sflag:s14] =	ssyncadd.s32 $0xFFFFF000  }
0x85: {  	[tilespmem:s17], [sflag:$0x1] =	stream.indirect.gather [hbm4b:s4+s16], $0x20, s24, s16, $0xb8;
	[tilespmem:$0x13600] =	vst v63  }
0x86: {  	_ =	swait.ge [sflag:s20], $0x1000  }
0x87: {  	[sflag:s20] =	ssyncset.done $0x0  }
.Ltmp6:
0x88: {  	s24 =	sadd.s32 $0x3C80, s23;
	[sflag:s20] =	ssyncadd.s32 $0xFFFFF000;
	(pc) =	sbr.rel @!p1 .LBB2_3-.Ltmp6, $4  }
0x89: {  	[spmem:s2] =	stream.indirect.scatter.add.f32 [tilespmem:s18], [sflag:$0x3], $0x20, s24, s16, $0xb8;
	[tilespmem:$0x13600] =	vst v63  }
0x8a: {  	_ =	swait.ge [sflag:s14], $0x1000  }
0x8b: {  	[sflag:s14] =	ssyncset.done $0x0  }
0x8c: {  	s23 =	sadd.s32 $0x180, s23;
	[sflag:s14] =	ssyncadd.s32 $0xFFFFF000  }
.Ltmp7:
0x8d: {  	_ = 	snop;
	(pc) =	sbr.rel .LBB2_4-.Ltmp7, $1  }
0x8e: {  	_ =	sdelay $0x3  }
.LBB2_9:
0x8f: {  	_ =	sfence.sel $0x180000  }
0x90: {  	[bflag:$0x0] =	sbarrier.arrive $0xFFFF  }
0x91: {  	p0 =	sne.s32 s1, $0x0;
	_ =	strace $0x9000004D  }
0x92: {  	s0 =	sadd.s32 @!p0 $0x100000, s0;
	[bflag:$0x2] =	sbarrier.arrive $0xFFFF  }
0x93: {  	[sflag:s0] =	ssyncadd.tile.s32 @!p0 $0x1;
	_ =	shalt  }
.Lfunc_end2:
_tile_overlayer_lowered:
.L_overlay_start_2:
0x94: {  	(tag) =	ssettag $0x2  }
0x95: {  	s0 =	rddreg [dreg:$0x0];
	s2 =	stileid.u32  }
0x96: {  	s1 =	rddreg [dreg:$0x1];
	p0 =	sne.s32 s2, $0x0  }
0x97: {  	s3 =	rddreg [dreg:$0x2];
	[bflag:$0x3] =	sbarrier.arrive $0xFFFF;
	s2 =	simm.s32 @!p0 $0x1C03  }
0x98: {  	[timem:s3], [sflag:s2] =	dma.local @!p0 [hbm:s0], s1  }
0x99: {  	s0 =	simm.s32 @!p0 $0x3  }
0x9a: {  	_ =	swait.ge @!p0 [sflag:s0], s1  }
0x9b: {  	s1 =	ssub.s32 @!p0 $0x0, s1;
	[sflag:s0] =	ssyncset.done @!p0 $0x0  }
0x9c: {  	[sflag:s0] =	ssyncadd.s32 @!p0 s1  }
0x9d: {  	[bflag:$0x3] =	sbarrier.arrive $0xFFFF  }
0x9e: {  	_ =	shalt  }

// kernel: sc_gs64.3.cloned.1.call-start
scs
__scs_entry_jumppad:
0x0: {  	(pc) =	sbr.rel $0x88, $3  }
0x1: {  	(tag) =	ssettag $0x0;
	lr =	simm.s32 $0x1  }
0x2: {  	[smem:$0x3F9D] =	sst lr;
	_ =	strace $0xD0000000  }
0x3: {  	_ = 	snop  }
0x4: {  	_ = 	snop  }
0x5: {  	_ = 	snop  }
0x6: {  	_ = 	snop  }
0x7: {  	_ = 	snop  }
__scs_overlays_trampoline_lowered:
0x8: {  	[smem:$0x3FAC] =	sst s0  }
0x9: {  	[smem:$0x3FAD] =	sst s1  }
0xa: {  	[smem:$0x3FAE] =	sst s2  }
0xb: {  	[smem:$0x3FAF] =	sst s3  }
0xc: {  	[smem:$0x3FB0] =	sst s4  }
0xd: {  	[smem:$0x3FB1] =	sst s5  }
0xe: {  	[smem:$0x3FB2] =	sst s6  }
0xf: {  	[smem:$0x3FB3] =	sst s7  }
0x10: {  	[smem:$0x3FB4] =	sst s8  }
0x11: {  	[smem:$0x3FB5] =	sst s9;
	s0 =	simm.s32 @!p0 $0x0  }
0x12: {  	s1 =	sld [smem:$0x3F9B];
	s0 =	simm.s32 @p0 $0x1  }
0x13: {  	[smem:$0x3FB6] =	sst s0;
	s0 =	simm.s32 @!p1 $0x0  }
0x14: {  	s2 =	sld [smem:$0x3F9A];
	s0 =	simm.s32 @p1 $0x1  }
0x15: {  	[smem:$0x3FB7] =	sst s0;
	s0 =	simm.s32 @!p2 $0x0  }
0x16: {  	s3 =	sld [smem:$0x3FDB];
	s0 =	simm.s32 @p2 $0x1  }
0x17: {  	s4 =	simm.s32 $0x1BF5;
	[smem:$0x3FB9] =	sst s0  }
0x18: {  	s0 =	sld [smem:$0x3F9C];
	_ =	swait.ge [sflag:s4], $0x0  }
0x19: {  	s7 =	sld [smem:$0x3F9D]  }
0x1a: {  	s8 =	sadd.s32 $0xFFFFE003, lr  }
0x1b: {  	s9 =	sadd.s32 $0xFFFFFEF7, lr;
	s5 =	simm.s32 $0xFFFFFFFF;
	p2 =	slt.u32 s8, $0xFFFFF086  }
0x1c: {  	p1 =	slt.u32 s9, $0xF7A;
	s5 =	simm.s32 @!p2 $0x0  }
0x1d: {  	s5 =	simm.s32 @p1 $0x1;
	p0 =	seq.s32 s7, s2  }
0x1e: {  	s7 =	smul.u32 @!p0 $0xF7A, s2;
	p2 =	seq.s32 @!p0 s5, $0x0  }
0x1f: {  	s9 =	smul.u32 $0xF7A, s1;
	s8 =	simm.s32 @!p0 $0x1BF5;
	p2 =	por !p2, p0  }
0x20: {  	[sflag:s8] =	ssyncset.s32 @!p0 $0xFFFFF086;
	s6 =	sadd.s32 @!p0 s3, s7;
	s7 =	simm.s32 @!p0 $0x108  }
0x21: {  	s3 =	sadd.s32 s3, s9;
	s6 =	sadd.s32 @!p0 $0x88, s6;
	s7 =	simm.s32 @p2 $0x1082  }
0x22: {  	[simem:s7], [sflag:s8] =	dma.local @!p0 [hbm:s6], $0xF7A  }
0x23: {  	s9 =	sor.u32 $0xD0000000, s2;
	s6 =	simm.s32 $0x108;
	_ =	swait.ge @!p0 [sflag:s8], $0x0  }
0x24: {  	s3 =	sadd.s32 $0x88, s3;
	s6 =	simm.s32 @!p1 $0x1082;
	[sflag:s4] =	ssyncset.s32 $0xFFFFF086  }
0x25: {  	[simem:s6], [sflag:s4] =	dma.local [hbm:s3], $0xF7A  }
0x26: {  	[smem:$0x3F9D] =	sst s1;
	(tag) =	ssettag s2;
	_ =	strace s9  }
0x27: {  	s1 =	sld [smem:$0x3FAD]  }
0x28: {  	s2 =	sld [smem:$0x3FAE]  }
0x29: {  	s4 =	sld [smem:$0x3FB0]  }
0x2a: {  	p0 =	seq.s32 s5, $0x0;
	s5 =	sld [smem:$0x3FB1]  }
0x2b: {  	s6 =	sld [smem:$0x3FB2]  }
0x2c: {  	s7 =	sld [smem:$0x3FB3]  }
0x2d: {  	s3 =	simm.s32 $0x108;
	s8 =	sld [smem:$0x3FB4]  }
0x2e: {  	s3 =	simm.s32 @!p0 $0x1082;
	s9 =	sld [smem:$0x3FB5]  }
0x2f: {  	lr =	sadd.s32 s0, s3;
	s0 =	sld [smem:$0x3FAC]  }
0x30: {  	s3 =	sld [smem:$0x3FAF]  }
0x31: {  	[smem:$0x3FB8] =	sst s10  }
0x32: {  	s10 =	sld [smem:$0x3FB6];
	_ =	sdelay $0x3  }
0x33: {  	p0 =	seq.s32 s10, $0x1;
	s10 =	sld [smem:$0x3FB8];
	_ =	sdelay $0x3  }
0x34: {  	[smem:$0x3FB8] =	sst s10  }
0x35: {  	s10 =	sld [smem:$0x3FB7];
	_ =	sdelay $0x3  }
0x36: {  	p1 =	seq.s32 s10, $0x1;
	s10 =	sld [smem:$0x3FB8];
	_ =	sdelay $0x3  }
0x37: {  	[smem:$0x3FB8] =	sst s10  }
0x38: {  	s10 =	sld [smem:$0x3FB9]  }
0x39: {  	_ = 	snop;
	(pc) =	sbr.ind lr, $3  }
0x3a: {  	_ = 	snop  }
0x3b: {  	_ = 	snop  }
0x3c: {  	p2 =	seq.s32 s10, $0x1;
	s10 =	sld [smem:$0x3FB8]  }
0x3d: {  	_ =	shalt  }
0x3e: {  	_ =	shalt  }
0x3f: {  	_ =	shalt  }
0x40: {  	_ =	shalt  }
0x41: {  	_ =	shalt  }
0x42: {  	_ =	shalt  }
0x43: {  	_ =	shalt  }
0x44: {  	_ =	shalt  }
0x45: {  	_ =	shalt  }
0x46: {  	_ =	shalt  }
0x47: {  	_ =	shalt  }
0x48: {  	_ =	shalt  }
0x49: {  	_ =	shalt  }
0x4a: {  	_ =	shalt  }
0x4b: {  	_ =	shalt  }
0x4c: {  	_ =	shalt  }
0x4d: {  	_ =	shalt  }
0x4e: {  	_ =	shalt  }
0x4f: {  	_ =	shalt  }
0x50: {  	_ =	shalt  }
0x51: {  	_ =	shalt  }
0x52: {  	_ =	shalt  }
0x53: {  	_ =	shalt  }
0x54: {  	_ =	shalt  }
0x55: {  	_ =	shalt  }
0x56: {  	_ =	shalt  }
0x57: {  	_ =	shalt  }
0x58: {  	_ =	shalt  }
0x59: {  	_ =	shalt  }
0x5a: {  	_ =	shalt  }
0x5b: {  	_ =	shalt  }
0x5c: {  	_ =	shalt  }
0x5d: {  	_ =	shalt  }
0x5e: {  	_ =	shalt  }
0x5f: {  	_ =	shalt  }
0x60: {  	_ =	shalt  }
0x61: {  	_ =	shalt  }
0x62: {  	_ =	shalt  }
0x63: {  	_ =	shalt  }
0x64: {  	_ =	shalt  }
0x65: {  	_ =	shalt  }
0x66: {  	_ =	shalt  }
0x67: {  	_ =	shalt  }
0x68: {  	_ =	shalt  }
0x69: {  	_ =	shalt  }
0x6a: {  	_ =	shalt  }
0x6b: {  	_ =	shalt  }
0x6c: {  	_ =	shalt  }
0x6d: {  	_ =	shalt  }
0x6e: {  	_ =	shalt  }
0x6f: {  	_ =	shalt  }
0x70: {  	_ =	shalt  }
0x71: {  	_ =	shalt  }
0x72: {  	_ =	shalt  }
0x73: {  	_ =	shalt  }
0x74: {  	_ =	shalt  }
0x75: {  	_ =	shalt  }
0x76: {  	_ =	shalt  }
0x77: {  	_ =	shalt  }
0x78: {  	_ =	shalt  }
0x79: {  	_ =	shalt  }
0x7a: {  	_ =	shalt  }
0x7b: {  	_ =	shalt  }
0x7c: {  	_ =	shalt  }
0x7d: {  	_ =	shalt  }
0x7e: {  	_ =	shalt  }
0x7f: {  	_ =	shalt  }
0x80: {  	_ =	shalt  }
0x81: {  	_ =	shalt  }
0x82: {  	_ =	shalt  }
0x83: {  	_ =	shalt  }
0x84: {  	_ =	shalt  }
0x85: {  	_ =	shalt  }
0x86: {  	_ =	shalt  }
0x87: {  	_ =	shalt  }
.Lfunc_end0:
.L_simem_size_0:
called_computation.1_lowered:
.L_overlay_start_0:
0x88: {  	s2 =	sld [smem:$0x3FD9]  }
0x89: {  	s3 =	sld [smem:$0x3FFE];
	_ =	sdelay $0x1  }
0x8a: {  	s1 =	srdreg.scid  }
0x8b: {  	s0 =	sand.u32 $0x1, s1  }
0x8c: {  	s16 =	sshll.u32 s0, $0xA;
	s2 =	sadd.s32 s3, s2  }
0x8d: {  	s2 =	sadd.s32 s2, s16  }
0x8e: {  	[smem:$0x3FC4] =	sst s2  }
0x8f: {  	_ = 	snop  }
0x90: {  	(tm) =	ssettm $0x1  }
0x91: {  	s17 =	sld [smem:$0x3FFB];
	_ =	sdelay $0x3  }
0x92: {  	_ =	strace s17  }
0x93: {  	s2 =	sld [smem:$0x3FFC];
	_ =	sdelay $0x3  }
0x94: {  	_ =	strace s2  }
0x95: {  	s2 =	sld [smem:$0x3FFD];
	_ =	sdelay $0x3  }
0x96: {  	_ =	strace s2  }
0x97: {  	_ =	strace $0x8FFFFFFF  }
0x98: {  	s18 =	sld [smem:$0x3FDB];
	_ =	sdelay $0x1  }
0x99: {  	s19 =	simm.s32 $_scs_section_size  }
0x9a: {  	s4 =	simm.s32 $_size__tile_overlayer_lowered;
	s5 =	simm.s32 $_tile_overlayer_lowered  }
0x9b: {  	s22 =	simm.s32 $0x1BFF;
	s21 =	sshll.u32 s5, $0x1;
	s2 =	sadd.s32 s19, s18  }
0x9c: {  	s6 =	simm.s32 $0x0;
	s20 =	sshll.u32 s4, $0x1;
	s4 =	sadd.s32 s21, s2  }
0x9d: {  	[timem:s6], [sflag:s22] =	dma.local [hbm:s4], s20  }
0x9e: {  	_ =	swait.ge [sflag:s22], s20  }
0x9f: {  	s3 =	ssub.s32 $0x0, s20;
	[sflag:s22] =	ssyncset.done $0x0  }
0xa0: {  	[sflag:s22] =	ssyncadd.s32 s3;
	_ =	sdelay $0x1  }
0xa1: {  	s23 =	simm.s32 $0x1B8B  }
0xa2: {  	_ =	swait.ge [sflag:s23], $0x1  }
0xa3: {  	[sflag:s23] =	ssyncset.done $0x0  }
0xa4: {  	s25 =	simm.s32 $0x1B8E;
	s24 =	sld [smem:$0x3FFE];
	[sflag:s23] =	ssyncadd.s32 $0xFFFFFFFF  }
0xa5: {  	s26 =	simm.s32 $execute0_lowered;
	[smem:$0x3FD2] =	sst s25  }
0xa6: {  	s4 =	sshll.u32 s26, $0x1;
	_ =	strace $0x80000049;
	[dreg:$0x1] =	wrdreg $0xFFFFFFFF  }
0xa7: {  	s28 =	simm.s32 $_size_execute0_lowered;
	s2 =	sadd.s32 s2, s4;
	[dreg:$0x0] =	wrdreg $0x0  }
0xa8: {  	s4 =	sshll.u32 s28, $0x1;
	[dreg:$0x2] =	wrdreg s2  }
0xa9: {  	[dreg:$0x3] =	wrdreg s4  }
0xaa: {  	[dreg:$0x4] =	wrdreg $0xC0  }
0xab: {  	_ =	task [dreg:s6], $0x5FFFF  }
0xac: {  	[dreg:$0x1] =	wrdreg $0xFFFFFFFF  }
0xad: {  	[dreg:$0x0] =	wrdreg $0x60  }
0xae: {  	[dreg:$0x2] =	wrdreg s24  }
0xaf: {  	[dreg:$0x3] =	wrdreg $0x156000  }
0xb0: {  	[dreg:$0x4] =	wrdreg $0x9  }
0xb1: {  	_ =	task.clear_ibuf [dreg:s6], $0x5FFFF;
	_ =	strace $0x90000049  }
0xb2: {  	s29 =	simm.s32 $0x9;
	_ =	strace $0x8000004B  }
0xb3: {  	_ =	swait.ge [sflag:s29], $0x1  }
0xb4: {  	[sflag:s29] =	ssyncadd.s32 $0xFFFFFFFF  }
0xb5: {  	_ =	strace $0x9000004B  }
0xb6: {  	_ =	sfence  }
0xb7: {  	s30 =	sld [smem:$0x0];
	_ =	sdelay $0x2  }
0xb8: {  	s31 =	sshll.u32 s1, $0xD;
	s1 =	sshrl.u32 s1, $0x2  }
0xb9: {  	s3 =	sand.u32 $0x4000, s31;
	s1 =	sadd.s32 s1, s30  }
0xba: {  	s0 =	sor.u32 s3, s0;
	s1 =	sshll.u32 s1, $0x11  }
0xbb: {  	s0 =	sor.u32 s1, s0  }
0xbc: {  	s0 =	sadd.s32 $0x8F2B, s0  }
0xbd: {  	[sflag:s0] =	ssyncadd.remote.s32 $0x1  }
0xbe: {  	_ =	sfence.sel $0xFFFF  }
0xbf: {  	[dreg:$0x0] =	wrdreg $0xFFFFFFFF;
	(pc) =	sbr.abs _section_cstart, $3  }
0xc0: {  	[dreg:$0x1] =	wrdreg $0xFFFFFFFF  }
0xc1: {  	_ =	task.clear_ibuf [dreg:s6], $0x2FFFF;
	_ =	strace $0x9FFFFFFF  }
0xc2: {  	(tm) =	ssettm $0x7FFFFFFF  }
0xc3: {  	_ =	shalt  }
tec
execute0_lowered:
.L_overlay_start_1:
0x0: {  	(tag) =	ssettag $0x1  }
0x1: {  	s5 =	rddreg [dreg:$0x0]  }
0x2: {  	s2 =	rddreg [dreg:$0x1]  }
0x3: {  	s0 =	rddreg [dreg:$0x2]  }
0x4: {  	s3 =	simm.s32 $0x0;
	s1 =	stileid.u32;
	s4 =	srdreg.scid  }
0x5: {  	s16 =	simm.s32 $0x80;
	s17 =	simm.s32 $0x7800;
	s18 =	simm.s32 $0x9800  }
0x6: {  	s19 =	simm.s32 $0x1;
	s20 =	simm.s32 $0x2;
	s21 =	simm.s32 $0x0  }
0x7: {  	[smem:$0x7FF] =	sst s3;
	s6 =	smul.u32 $0x9E00, s1;
	s7 =	sand.u32 $0x1, s4  }
0x8: {  	s4 =	sadd.s32 $0x20400, s5;
	s9 =	sadd.s32 $0x16400, s5;
	s14 =	smul.u32 $0x5000, s1  }
0x9: {  	s10 =	sadd.s32 $0xB400, s5;
	s30 =	smul.u32 $0xA00, s1;
	_ =	strace $0x8000004A  }
0xa: {  	s8 =	smul.u32 $0x9E000, s7;
	s12 =	ssub.s32 $0x2, s7;
	p0 =	seq.s32 s7, $0x1  }
0xb: {  	s11 =	sshrl.u32 s6, $0x3;
	s13 =	sshrl.u32 s12, $0x1;
	s31 =	sshrl.u32 s14, $0x3  }
0xc: {  	s7 =	sadd.s32 s9, s30;
	s14 =	simm.s32 $0x3;
	s8 =	sadd.s32 s6, s8  }
.Ltmp0:
0xd: {  	s11 =	sadd.s32 s11, s5;
	s12 =	ssub.s32 s12, s13;
	(pc) =	sbr.rel .LBB2_1-.Ltmp0, $4  }
0xe: {  	s6 =	sadd.s32 s6, s2;
	s13 =	simm.s32 $0xB800;
	s8 =	sshrl.u32 s8, $0x3  }
0xf: {  	s15 =	sadd.s32 s8, s5;
	s5 =	sadd.s32 $0x34000, s11;
	s11 =	sadd.s32 $0x780, s31  }
0x10: {  	s12 =	smax.u32 s12, $0x1;
	s8 =	sadd.s32 s10, s30;
	s9 =	sadd.s32 s9, s11  }
0x11: {  	s10 =	sadd.s32 s10, s11;
	s11 =	sadd.s32 $0x47C00, s15;
	s15 =	simm.s32 $0x3C00  }
.LBB2_4:
0x12: {  	[tilespmem:s18], [sflag:$0x2] =	stream.indirect.gather [hbm4b:s4+s16], $0x40, s23, s16, $0xb8;
	[tilespmem:$0x1F400] =	vst v63  }
0x13: {  	s22 =	simm.s32 $0x7780;
	s23 =	simm.s32 $0x7700  }
.LBB2_8:
0x14: {  	_ =	swait.ge [sflag:s19], $0x2000  }
0x15: {  	[sflag:s19] =	ssyncset.done $0x0  }
0x16: {  	[sflag:s19] =	ssyncadd.s32 $0xFFFFE000  }
0x17: {  	[spmem:s2] =	stream.indirect.scatter.add.f32 [tilespmem:s17], [sflag:$0x3], $0x40, s23, s16, $0xb8;
	[tilespmem:$0x1F400] =	vst v63  }
0x18: {  	_ =	swait.ge [sflag:s14], $0x2000  }
0x19: {  	[sflag:s14] =	ssyncset.done $0x0  }
0x1a: {  	[sflag:s14] =	ssyncadd.s32 $0xFFFFE000  }
0x1b: {  	_ =	swait.ge [sflag:s20], $0x2000  }
0x1c: {  	[sflag:s20] =	ssyncset.done $0x0  }
0x1d: {  	[sflag:s20] =	ssyncadd.s32 $0xFFFFE000  }
0x1e: {  	[spmem:s2] =	stream.indirect.scatter.add.f32 [tilespmem:s18], [sflag:$0x3], $0x40, s22, s16, $0xb8;
	[tilespmem:$0x1F400] =	vst v63  }
0x1f: {  	_ =	swait.ge [sflag:s14], $0x2000  }
0x20: {  	[sflag:s14] =	ssyncset.done $0x0  }
0x21: {  	[sflag:s14] =	ssyncadd.s32 $0xFFFFE000  }
0x22: {  	[bflag:$0x0] =	sbarrier.arrive $0xFFFF  }
0x23: {  	[tilespmem:s13], [sflag:$0x3] =	stream.linear.gather [spmem:s6], $0x9E00, $0x38;
	[tilespmem:$0x1F400] =	vst v63  }
0x24: {  	s21 =	sadd.s32 $0x1, s21;
	_ =	swait.ge [sflag:s14], $0x9E00  }
0x25: {  	p1 =	sne.s32 s21, s12;
	[sflag:s14] =	ssyncset.done $0x0  }
.Ltmp1:
0x26: {  	[sflag:s14] =	ssyncadd.s32 $0xFFFF6200;
	(pc) =	sbr.rel @!p1 .LBB2_9-.Ltmp1, $4  }
0x27: {  	[hbm4b:s11+s3] =	stream.linear.scatter [tilespmem:s13], [sflag:$0x3], $0x9E00, $0x38;
	[tilespmem:$0x1F400] =	vst v63  }
0x28: {  	_ =	swait.ge [sflag:s14], $0x9E00  }
0x29: {  	[sflag:s14] =	ssyncset.done $0x0  }
0x2a: {  	[sflag:s14] =	ssyncadd.s32 $0xFFFF6200  }
.LBB2_1:
0x2b: {  	[tilespmem:s13], [sflag:$0x3] =	stream.linear.gather [hbm4b:s5+s3], $0x9E00, $0x38;
	[tilespmem:$0x1F400] =	vst v63  }
0x2c: {  	_ =	swait.ge [sflag:s14], $0x9E00  }
0x2d: {  	[sflag:s14] =	ssyncset.done $0x0  }
.Ltmp2:
0x2e: {  	[sflag:s14] =	ssyncadd.s32 $0xFFFF6200;
	(pc) =	sbr.rel @!p0 .LBB2_2-.Ltmp2, $4  }
0x2f: {  	[spmem:s6] =	stream.linear.scatter [tilespmem:s13], [sflag:$0x3], $0x9E00, $0x38;
	[tilespmem:$0x1F400] =	vst v63  }
0x30: {  	_ =	swait.ge [sflag:s14], $0x9E00  }
0x31: {  	[sflag:s14] =	ssyncset.done $0x0  }
0x32: {  	s22 =	simm.s32 $0x0;
	[sflag:s14] =	ssyncadd.s32 $0xFFFF6200  }
0x33: {  	[tilespmem:s22], [sflag:$0x3] =	stream.linear.gather [hbm4b:s9+s22], $0x1400, $0x38;
	[tilespmem:$0x1F400] =	vst v63  }
0x34: {  	_ =	swait.ge [sflag:s14], $0x1400  }
0x35: {  	[sflag:s14] =	ssyncset.done $0x0  }
0x36: {  	[sflag:s14] =	ssyncadd.s32 $0xFFFFEC00  }
0x37: {  	[tilespmem:s15], [sflag:$0x3] =	stream.linear.gather [hbm4b:s10+s22], $0x1400, $0x38;
	[tilespmem:$0x1F400] =	vst v63  }
0x38: {  	_ =	swait.ge [sflag:s14], $0x1400  }
0x39: {  	[sflag:s14] =	ssyncset.done $0x0  }
0x3a: {  	[sflag:s14] =	ssyncadd.s32 $0xFFFFEC00  }
0x3b: {  	[tilespmem:s17], [sflag:$0x1] =	stream.indirect.gather [hbm4b:s4+s16], $0x40, s22, s16, $0xb8;
	[tilespmem:$0x1F400] =	vst v63  }
0x3c: {  	_ = 	snop  }
0x3d: {  	[tilespmem:s18], [sflag:$0x2] =	stream.indirect.gather [hbm4b:s4+s16], $0x40, s16, s16, $0xb8;
	[tilespmem:$0x1F400] =	vst v63  }
0x3e: {  	_ =	swait.ge [sflag:s19], $0x2000  }
0x3f: {  	[sflag:s19] =	ssyncset.done $0x0  }
0x40: {  	s29 =	simm.s32 $0x3C00;
	[sflag:s19] =	ssyncadd.s32 $0xFFFFE000  }
0x41: {  	[spmem:s2] =	stream.indirect.scatter.add.f32 [tilespmem:s17], [sflag:$0x3], $0x40, s29, s16, $0xb8;
	[tilespmem:$0x1F400] =	vst v63  }
0x42: {  	_ =	swait.ge [sflag:s14], $0x2000  }
0x43: {  	[sflag:s14] =	ssyncset.done $0x0  }
0x44: {  	s30 =	simm.s32 $0x100;
	[sflag:s14] =	ssyncadd.s32 $0xFFFFE000  }
0x45: {  	[tilespmem:s17], [sflag:$0x1] =	stream.indirect.gather [hbm4b:s4+s16], $0x40, s30, s16, $0xb8;
	[tilespmem:$0x1F400] =	vst v63  }
0x46: {  	_ =	swait.ge [sflag:s20], $0x2000  }
0x47: {  	[sflag:s20] =	ssyncset.done $0x0  }
0x48: {  	s31 =	simm.s32 $0x3C80;
	[sflag:s20] =	ssyncadd.s32 $0xFFFFE000  }
0x49: {  	[spmem:s2] =	stream.indirect.scatter.add.f32 [tilespmem:s18], [sflag:$0x3], $0x40, s31, s16, $0xb8;
	[tilespmem:$0x1F400] =	vst v63  }
0x4a: {  	_ =	swait.ge [sflag:s14], $0x2000  }
0x4b: {  	[sflag:s14] =	ssyncset.done $0x0  }
0x4c: {  	s23 =	simm.s32 $0x180;
	s22 =	simm.s32 $0x400;
	[sflag:s14] =	ssyncadd.s32 $0xFFFFE000  }
.LBB2_6:
0x4d: {  	[tilespmem:s18], [sflag:$0x2] =	stream.indirect.gather [hbm4b:s4+s16], $0x40, s23, s16, $0xb8;
	[tilespmem:$0x1F400] =	vst v63  }
0x4e: {  	s23 =	smov.u32 s22  }
0x4f: {  	p1 =	sne.s32 s22, $0x4800;
	s22 =	sadd.s32 $0x400, s22;
	_ =	swait.ge [sflag:s19], $0x2000  }
0x50: {  	s23 =	sshra.s32 s23, $0x2;
	[sflag:s19] =	ssyncset.done $0x0  }
0x51: {  	s24 =	sadd.s32 $0x3C00, s23;
	[sflag:s19] =	ssyncadd.s32 $0xFFFFE000  }
0x52: {  	[spmem:s2] =	stream.indirect.scatter.add.f32 [tilespmem:s17], [sflag:$0x3], $0x40, s24, s16, $0xb8;
	[tilespmem:$0x1F400] =	vst v63  }
0x53: {  	_ =	swait.ge [sflag:s14], $0x2000  }
0x54: {  	[sflag:s14] =	ssyncset.done $0x0  }
0x55: {  	s24 =	sadd.s32 $0x100, s23;
	[sflag:s14] =	ssyncadd.s32 $0xFFFFE000  }
0x56: {  	[tilespmem:s17], [sflag:$0x1] =	stream.indirect.gather [hbm4b:s4+s16], $0x40, s24, s16, $0xb8;
	[tilespmem:$0x1F400] =	vst v63  }
0x57: {  	_ =	swait.ge [sflag:s20], $0x2000  }
0x58: {  	[sflag:s20] =	ssyncset.done $0x0  }
.Ltmp3:
0x59: {  	s24 =	sadd.s32 $0x3C80, s23;
	[sflag:s20] =	ssyncadd.s32 $0xFFFFE000;
	(pc) =	sbr.rel @p1 .LBB2_6-.Ltmp3, $4  }
0x5a: {  	[spmem:s2] =	stream.indirect.scatter.add.f32 [tilespmem:s18], [sflag:$0x3], $0x40, s24, s16, $0xb8;
	[tilespmem:$0x1F400] =	vst v63  }
0x5b: {  	_ =	swait.ge [sflag:s14], $0x2000  }
0x5c: {  	[sflag:s14] =	ssyncset.done $0x0  }
0x5d: {  	s23 =	sadd.s32 $0x180, s23;
	[sflag:s14] =	ssyncadd.s32 $0xFFFFE000  }
.Ltmp4:
0x5e: {  	(pc) =	sbr.rel .LBB2_8-.Ltmp4, $3  }
0x5f: {  	_ =	sdelay $0x1  }
0x60: {  	[tilespmem:s18], [sflag:$0x2] =	stream.indirect.gather [hbm4b:s4+s16], $0x40, s23, s16, $0xb8;
	[tilespmem:$0x1F400] =	vst v63  }
0x61: {  	s22 =	simm.s32 $0x4F80;
	s23 =	simm.s32 $0x4F00  }
.LBB2_2:
0x62: {  	[tilespmem:s22], [sflag:$0x3] =	stream.linear.gather [hbm4b:s7+s22], $0x3C00, $0x38;
	[tilespmem:$0x1F400] =	vst v63  }
0x63: {  	_ =	swait.ge [sflag:s14], $0x3C00  }
0x64: {  	[sflag:s14] =	ssyncset.done $0x0  }
0x65: {  	[sflag:s14] =	ssyncadd.s32 $0xFFFFC400  }
0x66: {  	[tilespmem:s15], [sflag:$0x3] =	stream.linear.gather [hbm4b:s8+s22], $0x3C00, $0x38;
	[tilespmem:$0x1F400] =	vst v63  }
0x67: {  	_ =	swait.ge [sflag:s14], $0x3C00  }
0x68: {  	[sflag:s14] =	ssyncset.done $0x0  }
0x69: {  	[sflag:s14] =	ssyncadd.s32 $0xFFFFC400  }
0x6a: {  	[tilespmem:s17], [sflag:$0x1] =	stream.indirect.gather [hbm4b:s4+s16], $0x40, s22, s16, $0xb8;
	[tilespmem:$0x1F400] =	vst v63  }
0x6b: {  	_ = 	snop  }
0x6c: {  	[tilespmem:s18], [sflag:$0x2] =	stream.indirect.gather [hbm4b:s4+s16], $0x40, s16, s16, $0xb8;
	[tilespmem:$0x1F400] =	vst v63  }
0x6d: {  	_ =	swait.ge [sflag:s19], $0x2000  }
0x6e: {  	[sflag:s19] =	ssyncset.done $0x0  }
0x6f: {  	s29 =	simm.s32 $0x3C00;
	[sflag:s19] =	ssyncadd.s32 $0xFFFFE000  }
0x70: {  	[spmem:s2] =	stream.indirect.scatter.add.f32 [tilespmem:s17], [sflag:$0x3], $0x40, s29, s16, $0xb8;
	[tilespmem:$0x1F400] =	vst v63  }
0x71: {  	_ =	swait.ge [sflag:s14], $0x2000  }
0x72: {  	[sflag:s14] =	ssyncset.done $0x0  }
0x73: {  	s30 =	simm.s32 $0x100;
	[sflag:s14] =	ssyncadd.s32 $0xFFFFE000  }
0x74: {  	[tilespmem:s17], [sflag:$0x1] =	stream.indirect.gather [hbm4b:s4+s16], $0x40, s30, s16, $0xb8;
	[tilespmem:$0x1F400] =	vst v63  }
0x75: {  	_ =	swait.ge [sflag:s20], $0x2000  }
0x76: {  	p1 =	por $0x0, $0x0;
	[sflag:s20] =	ssyncset.done $0x0  }
.Ltmp5:
0x77: {  	s31 =	simm.s32 $0x3C80;
	[sflag:s20] =	ssyncadd.s32 $0xFFFFE000;
	(pc) =	sbr.rel @p1 .LBB2_4-.Ltmp5, $4  }
0x78: {  	[spmem:s2] =	stream.indirect.scatter.add.f32 [tilespmem:s18], [sflag:$0x3], $0x40, s31, s16, $0xb8;
	[tilespmem:$0x1F400] =	vst v63  }
0x79: {  	_ =	swait.ge [sflag:s14], $0x2000  }
0x7a: {  	[sflag:s14] =	ssyncset.done $0x0  }
0x7b: {  	s23 =	simm.s32 $0x180;
	s22 =	simm.s32 $0x400;
	[sflag:s14] =	ssyncadd.s32 $0xFFFFE000  }
.LBB2_3:
0x7c: {  	[tilespmem:s18], [sflag:$0x2] =	stream.indirect.gather [hbm4b:s4+s16], $0x40, s23, s16, $0xb8;
	[tilespmem:$0x1F400] =	vst v63  }
0x7d: {  	s23 =	smov.u32 s22  }
0x7e: {  	p1 =	seq.s32 s22, $0xE800;
	s22 =	sadd.s32 $0x400, s22;
	_ =	swait.ge [sflag:s19], $0x2000  }
0x7f: {  	s23 =	sshra.s32 s23, $0x2;
	[sflag:s19] =	ssyncset.done $0x0  }
0x80: {  	s24 =	sadd.s32 $0x3C00, s23;
	[sflag:s19] =	ssyncadd.s32 $0xFFFFE000  }
0x81: {  	[spmem:s2] =	stream.indirect.scatter.add.f32 [tilespmem:s17], [sflag:$0x3], $0x40, s24, s16, $0xb8;
	[tilespmem:$0x1F400] =	vst v63  }
0x82: {  	_ =	swait.ge [sflag:s14], $0x2000  }
0x83: {  	[sflag:s14] =	ssyncset.done $0x0  }
0x84: {  	s24 =	sadd.s32 $0x100, s23;
	[sflag:s14] =	ssyncadd.s32 $0xFFFFE000  }
0x85: {  	[tilespmem:s17], [sflag:$0x1] =	stream.indirect.gather [hbm4b:s4+s16], $0x40, s24, s16, $0xb8;
	[tilespmem:$0x1F400] =	vst v63  }
0x86: {  	_ =	swait.ge [sflag:s20], $0x2000  }
0x87: {  	[sflag:s20] =	ssyncset.done $0x0  }
.Ltmp6:
0x88: {  	s24 =	sadd.s32 $0x3C80, s23;
	[sflag:s20] =	ssyncadd.s32 $0xFFFFE000;
	(pc) =	sbr.rel @!p1 .LBB2_3-.Ltmp6, $4  }
0x89: {  	[spmem:s2] =	stream.indirect.scatter.add.f32 [tilespmem:s18], [sflag:$0x3], $0x40, s24, s16, $0xb8;
	[tilespmem:$0x1F400] =	vst v63  }
0x8a: {  	_ =	swait.ge [sflag:s14], $0x2000  }
0x8b: {  	[sflag:s14] =	ssyncset.done $0x0  }
0x8c: {  	s23 =	sadd.s32 $0x180, s23;
	[sflag:s14] =	ssyncadd.s32 $0xFFFFE000  }
.Ltmp7:
0x8d: {  	_ = 	snop;
	(pc) =	sbr.rel .LBB2_4-.Ltmp7, $1  }
0x8e: {  	_ =	sdelay $0x3  }
.LBB2_9:
0x8f: {  	_ =	sfence.sel $0x180000  }
0x90: {  	[bflag:$0x0] =	sbarrier.arrive $0xFFFF  }
0x91: {  	p0 =	sne.s32 s1, $0x0;
	_ =	strace $0x9000004A  }
0x92: {  	s0 =	sadd.s32 @!p0 $0x100000, s0;
	[bflag:$0x2] =	sbarrier.arrive $0xFFFF  }
0x93: {  	[sflag:s0] =	ssyncadd.tile.s32 @!p0 $0x1;
	_ =	shalt  }
.Lfunc_end2:
_tile_overlayer_lowered:
.L_overlay_start_2:
0x94: {  	(tag) =	ssettag $0x2  }
0x95: {  	s0 =	rddreg [dreg:$0x0];
	s2 =	stileid.u32  }
0x96: {  	s1 =	rddreg [dreg:$0x1];
	p0 =	sne.s32 s2, $0x0  }
0x97: {  	s3 =	rddreg [dreg:$0x2];
	[bflag:$0x3] =	sbarrier.arrive $0xFFFF;
	s2 =	simm.s32 @!p0 $0x1C03  }
0x98: {  	[timem:s3], [sflag:s2] =	dma.local @!p0 [hbm:s0], s1  }
0x99: {  	s0 =	simm.s32 @!p0 $0x3  }
0x9a: {  	_ =	swait.ge @!p0 [sflag:s0], s1  }
0x9b: {  	s1 =	ssub.s32 @!p0 $0x0, s1;
	[sflag:s0] =	ssyncset.done @!p0 $0x0  }
0x9c: {  	[sflag:s0] =	ssyncadd.s32 @!p0 s1  }
0x9d: {  	[bflag:$0x3] =	sbarrier.arrive $0xFFFF  }
0x9e: {  	_ =	shalt  }

</sc_bundles>
